<compile_context>
chip_gen: v7x
topology: tpu7x:2x2x1
jax: 0.10.2.dev20260603
libtpu: 0.0.44.dev20260713+nightly
codegen_flags: <defaults>
</compile_context>

<pallas_src>
import functools

import jax
import jax.numpy as jnp
from jax import lax
from jax.experimental import pallas as pl
from jax.experimental.pallas import tpu as pltpu
from jax.experimental.pallas import tpu_sc as plsc

_NC, _NS = 2, 16
_NW = _NC * _NS
_CH = 128


_SCK = 256
_NB = 2


def _sc_gather(h_V2d, idx_pad, rows_pad, feat):
    chunks_per_w = rows_pad // (_NW * _SCK)
    mesh = plsc.VectorSubcoreMesh(core_axis_name="c", subcore_axis_name="s")

    @functools.partial(
        pl.kernel,
        out_type=jax.ShapeDtypeStruct((rows_pad, 128), jnp.float32),
        mesh=mesh,
        scratch_types=[
            pltpu.VMEM((_NB, _SCK), jnp.int32),
            pltpu.VMEM((_NB, _SCK, 128), jnp.float32),
            pltpu.SemaphoreType.DMA((_NB,)),
            pltpu.SemaphoreType.DMA((_NB,)),
            pltpu.SemaphoreType.DMA((_NB,)),
        ],
    )
    def gather_kernel(table_hbm, idx_hbm, out_hbm, idx_v, rows_v,
                      isem, gsem, ssem):
        wid = lax.axis_index("s") * _NC + lax.axis_index("c")
        base = wid * chunks_per_w

        def idx_copy(c, b):
            return pltpu.make_async_copy(
                idx_hbm.at[pl.ds(c * _SCK, _SCK)], idx_v.at[b], isem.at[b])

        def out_copy(c, b):
            return pltpu.make_async_copy(
                rows_v.at[b], out_hbm.at[pl.ds(c * _SCK, _SCK)], ssem.at[b])

        for b in range(_NB):
            idx_copy(base + b, b).start()

        @pl.loop(0, chunks_per_w, step=_NB)
        def _(t):
            for b in range(_NB):
                cur = base + t + b
                idx_copy(cur, b).wait()

                @pl.when(t + b >= _NB)
                def _():
                    out_copy(cur - _NB, b).wait()

                h0 = pltpu.async_copy(
                    table_hbm.at[idx_v.at[b].at[pl.ds(0, _CH)]],
                    rows_v.at[b].at[pl.ds(0, _CH)], gsem.at[b])
                h1 = pltpu.async_copy(
                    table_hbm.at[idx_v.at[b].at[pl.ds(_CH, _CH)]],
                    rows_v.at[b].at[pl.ds(_CH, _CH)], gsem.at[b])
                h0.wait()
                h1.wait()
                out_copy(cur, b).start()

                @pl.when(t + b + _NB < chunks_per_w)
                def _():
                    idx_copy(cur + _NB, b).start()

        for b in range(_NB):
            out_copy(base + chunks_per_w - _NB + b, b).wait()

    return gather_kernel(h_V2d, idx_pad)


def _pad_table(h_V2d, feat):
    n = h_V2d.shape[0]
    tile = 2000

    def body(x_ref, o_ref):
        o_ref[...] = jnp.concatenate(
            [x_ref[...], jnp.zeros((tile, 128 - feat), jnp.float32)], axis=1)

    return pl.pallas_call(
        body,
        grid=(n // tile,),
        in_specs=[pl.BlockSpec((tile, feat), lambda i: (i, 0))],
        out_specs=pl.BlockSpec((tile, 128), lambda i: (i, 0)),
        out_shape=jax.ShapeDtypeStruct((n, 128), jnp.float32),
    )(h_V2d)



def _tc_body(gV_ref, gE_ref, hV_ref, W1aq0_ref, W1aq1_ref, W1aq2_ref,
             W1aq3_ref, W1bBD_ref, b1_ref, W2BD_ref,
             b2_ref, W3BD_ref, b3_ref, Win_ref, bin_ref, Wout_ref, bout_ref,
             out_ref, *, tile_n, K, H):
    act = lambda x: 0.5 * x * (1.0 + jax.lax.erf(x * 0.7071067811865476))
    packed = tile_n * K // 4
    x = gE_ref[...] @ W1bBD_ref[...] + b1_ref[...]
    for q, wq in enumerate((W1aq0_ref, W1aq1_ref, W1aq2_ref, W1aq3_ref)):
        x = x + gV_ref[q * packed:(q + 1) * packed, :] @ wq[...]
    h = act(x)
    h = act(h @ W2BD_ref[...] + b2_ref[...])
    m = h @ W3BD_ref[...] + b3_ref[...]
    s = jnp.sum(m.reshape(tile_n, K // 4, 4 * H), axis=1)
    dh = (s[:, :H] + s[:, H:2 * H] + s[:, 2 * H:3 * H] + s[:, 3 * H:]) \
        * (1.0 / 30.0)
    hv = hV_ref[...] + dh
    ffn = act(hv @ Win_ref[...] + bin_ref[...]) @ Wout_ref[...] + bout_ref[...]
    out_ref[...] = hv + ffn


def kernel(h_V, h_E, E_idx, W1_w, W1_b, W2_w, W2_b, W3_w, W3_b,
           Win_w, Win_b, Wout_w, Wout_b):
    B, N, H = h_V.shape
    K = h_E.shape[2]
    DE = h_E.shape[3]

    hV2 = h_V.reshape(N, H)
    hE4 = h_E.reshape(N * K // 4, 4 * DE)
    idx = E_idx.reshape(N * K)

    table128 = _pad_table(hV2, H)

    eye4 = jnp.eye(4, dtype=jnp.float32)
    W1aqs = [
        jnp.pad(W1_w[:H], ((0, 128 - H), (q * H, (3 - q) * H)))
        for q in range(4)
    ]
    W1bBD = jnp.kron(eye4, W1_w[H:])
    W2BD = jnp.kron(eye4, W2_w)
    W3BD = jnp.kron(eye4, W3_w)
    b1_4 = jnp.tile(W1_b, 4).reshape(1, -1)
    b2_4 = jnp.tile(W2_b, 4).reshape(1, -1)
    b3_4 = jnp.tile(W3_b, 4).reshape(1, -1)

    TILE_N = 400
    grid = (N // TILE_N,)
    blk_e = TILE_N * K

    rows = N * K
    idx = idx.reshape(rows // blk_e, blk_e // 4, 4)
    idx = idx.transpose(0, 2, 1).reshape(rows)
    per_super = _NW * _SCK
    n_super = (rows + per_super - 1) // per_super
    n_super += n_super % _NB
    rows_pad = n_super * per_super
    if rows_pad != rows:
        idx = jnp.pad(idx, (0, rows_pad - rows))
    gV = _sc_gather(table128, idx, rows_pad, H)

    full = lambda a: pl.BlockSpec(a.shape, lambda i: (0,) * a.ndim)

    out = pl.pallas_call(
        lambda *refs: _tc_body(*refs, tile_n=TILE_N, K=K, H=H),
        grid=grid,
        in_specs=[
            pl.BlockSpec((TILE_N * K, 128), lambda i: (i, 0)),
            pl.BlockSpec((TILE_N * K // 4, 4 * DE), lambda i: (i, 0)),
            pl.BlockSpec((TILE_N, H), lambda i: (i, 0)),
            full(W1aqs[0]), full(W1aqs[1]), full(W1aqs[2]), full(W1aqs[3]),
            full(W1bBD), full(b1_4),
            full(W2BD), full(b2_4),
            full(W3BD), full(b3_4),
            full(Win_w), full(Win_b.reshape(1, -1)),
            full(Wout_w), full(Wout_b.reshape(1, -1)),
        ],
        out_specs=pl.BlockSpec((TILE_N, H), lambda i: (i, 0)),
        out_shape=jax.ShapeDtypeStruct((N, H), h_V.dtype),
    )(gV, hE4, hV2, W1aqs[0], W1aqs[1], W1aqs[2], W1aqs[3],
      W1bBD, b1_4, W2BD, b2_4, W3BD, b3_4,
      Win_w, Win_b.reshape(1, -1), Wout_w, Wout_b.reshape(1, -1))

    return out.reshape(B, N, H)

# --- scband reference (transcript-rebuilt; emitter-appended) ---
"""Pipeline reference for scband-enc-layer-38208029065286 (READ-ONLY COPY).

The authoritative reference and input builder live on the scoring server;
editing this copy changes nothing except your own understanding.
"""

import jax, jax.numpy as jnp
import numpy as np

B, N, K, H = 1, 50000, 32, 32
DE = 32


def _lin(k, fi, fo):
    return jax.random.normal(k, (fi, fo), jnp.float32) / np.sqrt(fi)


def setup_inputs(seed: int = 0):
    key = jax.random.key(seed)
    ks = jax.random.split(key, 16)
    h_V = jax.random.normal(ks[0], (B, N, H), jnp.float32)
    h_E = jax.random.normal(ks[1], (B, N, K, DE), jnp.float32)
    E_idx = jax.random.randint(ks[2], (B, N, K), 0, N, dtype=jnp.int32)
    d_in = H + DE
    return {
        "h_V": h_V,
        "h_E": h_E,
        "E_idx": E_idx,
        "W1_w": _lin(ks[3], d_in, H), "W1_b": jnp.zeros((H,), jnp.float32),
        "W2_w": _lin(ks[4], H, H), "W2_b": jnp.zeros((H,), jnp.float32),
        "W3_w": _lin(ks[5], H, H), "W3_b": jnp.zeros((H,), jnp.float32),
        "Win_w": _lin(ks[6], H, 4 * H), "Win_b": jnp.zeros((4 * H,), jnp.float32),
        "Wout_w": _lin(ks[7], 4 * H, H), "Wout_b": jnp.zeros((H,), jnp.float32),
    }


def reference(h_V, h_E, E_idx, W1_w, W1_b, W2_w, W2_b, W3_w, W3_b, Win_w, Win_b, Wout_w, Wout_b):
    act = lambda x: jax.nn.gelu(x, approximate=False)
    Bv, Nv, Hv = h_V.shape
    Kv = h_E.shape[2]
    ii = jnp.arange(Bv)[:, None, None]
    kk = jnp.arange(Kv)[None, None, :]
    neighbor_idx_expanded = jnp.repeat(E_idx[:, :, :, None], Hv, axis=3)
    h_V_neighbors = h_V[ii, neighbor_idx_expanded, kk]
    h_EV = jnp.concatenate([h_V_neighbors, h_E], axis=-1)
    h = act(h_EV @ W1_w + W1_b)
    h = act(h @ W2_w + W2_b)
    h_message = h @ W3_w + W3_b
    dh = jnp.sum(h_message, axis=-2) / 30.0
    h_V = h_V + dh
    dh = act(h_V @ Win_w + Win_b) @ Wout_w + Wout_b
    h_V = h_V + dh
    return h_V

if __name__ == "__main__":
    import jax
    _d = setup_inputs()
    print(jax.jit(kernel)(*tuple(_d.values())))

</pallas_src>

<mosaic_0001>
#map = affine_map<(d0, d1) -> (0, 0)>
#map1 = affine_map<(d0, d1) -> (0)>
module attributes {stable_mosaic.version = 14 : i64} {
  func.func @gather_kernel(%arg0: i32, %arg1: i32, %arg2: memref<50000x128xf32, #tpu.memory_space<hbm>>, %arg3: memref<1605632xi32, #tpu.memory_space<hbm>>, %arg4: memref<1605632x128xf32, #tpu.memory_space<hbm>>, %arg5: memref<2x256xi32, #tpu.memory_space<vmem>>, %arg6: memref<2x256x128xf32, #tpu.memory_space<vmem>>, %arg7: memref<2x!tpu.dma_semaphore, #tpu.memory_space<semaphore_mem>>, %arg8: memref<2x!tpu.dma_semaphore, #tpu.memory_space<semaphore_mem>>, %arg9: memref<2x!tpu.dma_semaphore, #tpu.memory_space<semaphore_mem>>) attributes {dimension_semantics = [#tpu.dimension_semantics<core_parallel>, #tpu.dimension_semantics<subcore_parallel>], iteration_bounds = array<i64: 2, 16>, scalar_prefetch = 0 : i64, scratch_operands = 5 : i64, tpu.core_type = #tpu.core_type<sc_vector_subcore>, window_params = [{transform_indices = #map}, {transform_indices = #map1}, {transform_indices = #map}]} {
    %mul3A = arith.constant 2 : i32
    %mul3A_0 = arith.muli %arg1, %mul3A : i32
    %add3A = arith.addi %mul3A_0, %arg0 : i32
    %mul3A_1 = arith.constant 196 : i32
    %mul3A_2 = arith.muli %add3A, %mul3A_1 : i32
    %add3A_3 = arith.constant 0 : i32
    %add3A_4 = arith.addi %mul3A_2, %add3A_3 : i32
    %mul3A_5 = arith.constant 256 : i32
    %mul3A_6 = arith.muli %add3A_4, %mul3A_5 : i32
    %dma_start3A = arith.constant 0 : i32
    %dma_start3A_7 = arith.constant 0 : i32
    %dma_start3A_8 = arith.constant 0 : i32
    %dma_start3A_9 = tpu.memref_slice %arg5[%dma_start3A, %dma_start3A_8] : memref<2x256xi32, #tpu.memory_space<vmem>> -> memref<1x256xi32, #tpu.memory_space<vmem>>
    %dma_start3A_10 = tpu.memref_squeeze %dma_start3A_9 : memref<1x256xi32, #tpu.memory_space<vmem>> -> memref<256xi32, #tpu.memory_space<vmem>>
    %dma_start3A_11 = tpu.memref_slice %arg3[%mul3A_6] : memref<1605632xi32, #tpu.memory_space<hbm>> -> memref<256xi32, #tpu.memory_space<hbm>>
    %dma_start3A_12 = tpu.memref_slice %arg7[%dma_start3A_7] : memref<2x!tpu.dma_semaphore, #tpu.memory_space<semaphore_mem>> -> memref<1x!tpu.dma_semaphore, #tpu.memory_space<semaphore_mem>>
    %dma_start3A_13 = tpu.memref_squeeze %dma_start3A_12 : memref<1x!tpu.dma_semaphore, #tpu.memory_space<semaphore_mem>> -> memref<!tpu.dma_semaphore, #tpu.memory_space<semaphore_mem>>
    %dma_start3A_14 = arith.constant 0 : i32
    %dma_start3A_15 = tpu.memref_slice %arg5[%dma_start3A, %dma_start3A_14] : memref<2x256xi32, #tpu.memory_space<vmem>> -> memref<1x256xi32, #tpu.memory_space<vmem>>
    %dma_start3A_16 = tpu.memref_squeeze %dma_start3A_15 : memref<1x256xi32, #tpu.memory_space<vmem>> -> memref<256xi32, #tpu.memory_space<vmem>>
    %dma_start3A_17 = tpu.memref_slice %arg3[%mul3A_6] : memref<1605632xi32, #tpu.memory_space<hbm>> -> memref<256xi32, #tpu.memory_space<hbm>>
    tpu.enqueue_dma source(%dma_start3A_17 : memref<256xi32, #tpu.memory_space<hbm>>) target(%dma_start3A_16 : memref<256xi32, #tpu.memory_space<vmem>>) target_semaphore(%dma_start3A_13 : memref<!tpu.dma_semaphore, #tpu.memory_space<semaphore_mem>>)
    %add3A_18 = arith.constant 1 : i32
    %add3A_19 = arith.addi %mul3A_2, %add3A_18 : i32
    %mul3A_20 = arith.constant 256 : i32
    %mul3A_21 = arith.muli %add3A_19, %mul3A_20 : i32
    %dma_start3A_22 = arith.constant 1 : i32
    %dma_start3A_23 = arith.constant 1 : i32
    %dma_start3A_24 = arith.constant 0 : i32
    %dma_start3A_25 = tpu.memref_slice %arg5[%dma_start3A_22, %dma_start3A_24] : memref<2x256xi32, #tpu.memory_space<vmem>> -> memref<1x256xi32, #tpu.memory_space<vmem>>
    %dma_start3A_26 = tpu.memref_squeeze %dma_start3A_25 : memref<1x256xi32, #tpu.memory_space<vmem>> -> memref<256xi32, #tpu.memory_space<vmem>>
    %dma_start3A_27 = tpu.memref_slice %arg3[%mul3A_21] : memref<1605632xi32, #tpu.memory_space<hbm>> -> memref<256xi32, #tpu.memory_space<hbm>>
    %dma_start3A_28 = tpu.memref_slice %arg7[%dma_start3A_23] : memref<2x!tpu.dma_semaphore, #tpu.memory_space<semaphore_mem>> -> memref<1x!tpu.dma_semaphore, #tpu.memory_space<semaphore_mem>>
    %dma_start3A_29 = tpu.memref_squeeze %dma_start3A_28 : memref<1x!tpu.dma_semaphore, #tpu.memory_space<semaphore_mem>> -> memref<!tpu.dma_semaphore, #tpu.memory_space<semaphore_mem>>
    %dma_start3A_30 = arith.constant 0 : i32
    %dma_start3A_31 = tpu.memref_slice %arg5[%dma_start3A_22, %dma_start3A_30] : memref<2x256xi32, #tpu.memory_space<vmem>> -> memref<1x256xi32, #tpu.memory_space<vmem>>
    %dma_start3A_32 = tpu.memref_squeeze %dma_start3A_31 : memref<1x256xi32, #tpu.memory_space<vmem>> -> memref<256xi32, #tpu.memory_space<vmem>>
    %dma_start3A_33 = tpu.memref_slice %arg3[%mul3A_21] : memref<1605632xi32, #tpu.memory_space<hbm>> -> memref<256xi32, #tpu.memory_space<hbm>>
    tpu.enqueue_dma source(%dma_start3A_33 : memref<256xi32, #tpu.memory_space<hbm>>) target(%dma_start3A_32 : memref<256xi32, #tpu.memory_space<vmem>>) target_semaphore(%dma_start3A_29 : memref<!tpu.dma_semaphore, #tpu.memory_space<semaphore_mem>>)
    %scan3A = arith.constant 0 : i32
    %scan3A_34 = arith.constant 98 : i32
    %scan3A_35 = arith.addi %scan3A, %scan3A_34 : i32
    %scan3A_36 = arith.constant 1 : i32
    scf.for %scan3A_84 = %scan3A to %scan3A_35 step %scan3A_36  : i32 {
      %mul3A_85 = arith.constant 2 : i32
      %mul3A_86 = arith.muli %scan3A_84, %mul3A_85 : i32
      %add3A_87 = arith.constant 0 : i32
      %add3A_88 = arith.addi %add3A_87, %mul3A_86 : i32
      %add3A_89 = arith.addi %mul3A_2, %add3A_88 : i32
      %add3A_90 = arith.constant 0 : i32
      %add3A_91 = arith.addi %add3A_89, %add3A_90 : i32
      %mul3A_92 = arith.constant 256 : i32
      %mul3A_93 = arith.muli %add3A_91, %mul3A_92 : i32
      %dma_wait3A_94 = arith.constant 0 : i32
      %dma_wait3A_95 = arith.constant 0 : i32
      %dma_wait3A_96 = arith.constant 0 : i32
      %dma_wait3A_97 = tpu.memref_slice %arg5[%dma_wait3A_94, %dma_wait3A_96] : memref<2x256xi32, #tpu.memory_space<vmem>> -> memref<1x256xi32, #tpu.memory_space<vmem>>
      %dma_wait3A_98 = tpu.memref_squeeze %dma_wait3A_97 : memref<1x256xi32, #tpu.memory_space<vmem>> -> memref<256xi32, #tpu.memory_space<vmem>>
      %dma_wait3A_99 = tpu.memref_slice %arg3[%mul3A_93] : memref<1605632xi32, #tpu.memory_space<hbm>> -> memref<256xi32, #tpu.memory_space<hbm>>
      %dma_wait3A_100 = tpu.memref_slice %arg7[%dma_wait3A_95] : memref<2x!tpu.dma_semaphore, #tpu.memory_space<semaphore_mem>> -> memref<1x!tpu.dma_semaphore, #tpu.memory_space<semaphore_mem>>
      %dma_wait3A_101 = tpu.memref_squeeze %dma_wait3A_100 : memref<1x!tpu.dma_semaphore, #tpu.memory_space<semaphore_mem>> -> memref<!tpu.dma_semaphore, #tpu.memory_space<semaphore_mem>>
      %dma_wait3A_102 = arith.constant 0 : i32
      %dma_wait3A_103 = tpu.memref_slice %arg5[%dma_wait3A_94, %dma_wait3A_102] : memref<2x256xi32, #tpu.memory_space<vmem>> -> memref<1x256xi32, #tpu.memory_space<vmem>>
      %dma_wait3A_104 = tpu.memref_squeeze %dma_wait3A_103 : memref<1x256xi32, #tpu.memory_space<vmem>> -> memref<256xi32, #tpu.memory_space<vmem>>
      %dma_wait3A_105 = tpu.memref_slice %arg3[%mul3A_93] : memref<1605632xi32, #tpu.memory_space<hbm>> -> memref<256xi32, #tpu.memory_space<hbm>>
      tpu.wait_dma2 semaphore(%dma_wait3A_101 : memref<!tpu.dma_semaphore, #tpu.memory_space<semaphore_mem>>) src(%dma_wait3A_105 : memref<256xi32, #tpu.memory_space<hbm>>) dst(%dma_wait3A_104 : memref<256xi32, #tpu.memory_space<vmem>>)
      %add3A_106 = arith.constant 0 : i32
      %add3A_107 = arith.addi %add3A_88, %add3A_106 : i32
      %ge3A = arith.constant 2 : i32
      %ge3A_108 = arith.cmpi sge, %add3A_107, %ge3A : i32
      %convert_element_type3A = arith.extui %ge3A_108 : i1 to i32
      %cond3A = arith.constant 0 : i32
      %cond3A_109 = arith.cmpi ne, %convert_element_type3A, %cond3A : i32
      scf.if %cond3A_109 {
        %sub3A_347 = arith.constant 2 : i32
        %sub3A_348 = arith.subi %add3A_91, %sub3A_347 : i32
        %mul3A_349 = arith.constant 256 : i32
        %mul3A_350 = arith.muli %sub3A_348, %mul3A_349 : i32
        %dma_wait3A_351 = arith.constant 0 : i32
        %dma_wait3A_352 = arith.constant 0 : i32
        %dma_wait3A_353 = arith.constant 0 : i32
        %dma_wait3A_354 = arith.constant 0 : i32
        %dma_wait3A_355 = tpu.memref_slice %arg6[%dma_wait3A_351, %dma_wait3A_353, %dma_wait3A_354] : memref<2x256x128xf32, #tpu.memory_space<vmem>> -> memref<1x256x128xf32, #tpu.memory_space<vmem>>
        %dma_wait3A_356 = tpu.memref_squeeze %dma_wait3A_355 : memref<1x256x128xf32, #tpu.memory_space<vmem>> -> memref<256x128xf32, #tpu.memory_space<vmem>>
        %dma_wait3A_357 = arith.constant 0 : i32
        %dma_wait3A_358 = tpu.memref_slice %arg4[%mul3A_350, %dma_wait3A_357] : memref<1605632x128xf32, #tpu.memory_space<hbm>> -> memref<256x128xf32, #tpu.memory_space<hbm>>
        %dma_wait3A_359 = tpu.memref_slice %arg9[%dma_wait3A_352] : memref<2x!tpu.dma_semaphore, #tpu.memory_space<semaphore_mem>> -> memref<1x!tpu.dma_semaphore, #tpu.memory_space<semaphore_mem>>
        %dma_wait3A_360 = tpu.memref_squeeze %dma_wait3A_359 : memref<1x!tpu.dma_semaphore, #tpu.memory_space<semaphore_mem>> -> memref<!tpu.dma_semaphore, #tpu.memory_space<semaphore_mem>>
        %dma_wait3A_361 = arith.constant 0 : i32
        %dma_wait3A_362 = tpu.memref_slice %arg4[%mul3A_350, %dma_wait3A_361] : memref<1605632x128xf32, #tpu.memory_space<hbm>> -> memref<256x128xf32, #tpu.memory_space<hbm>>
        %dma_wait3A_363 = arith.constant 0 : i32
        %dma_wait3A_364 = arith.constant 0 : i32
        %dma_wait3A_365 = tpu.memref_slice %arg6[%dma_wait3A_351, %dma_wait3A_363, %dma_wait3A_364] : memref<2x256x128xf32, #tpu.memory_space<vmem>> -> memref<1x256x128xf32, #tpu.memory_space<vmem>>
        %dma_wait3A_366 = tpu.memref_squeeze %dma_wait3A_365 : memref<1x256x128xf32, #tpu.memory_space<vmem>> -> memref<256x128xf32, #tpu.memory_space<vmem>>
        tpu.wait_dma2 semaphore(%dma_wait3A_360 : memref<!tpu.dma_semaphore, #tpu.memory_space<semaphore_mem>>) src(%dma_wait3A_366 : memref<256x128xf32, #tpu.memory_space<vmem>>) dst(%dma_wait3A_362 : memref<256x128xf32, #tpu.memory_space<hbm>>)
      } else {
      }
      %dma_start3A_110 = arith.constant 0 : i32
      %dma_start3A_111 = arith.constant 0 : i32
      %dma_start3A_112 = arith.constant 0 : i32
      %dma_start3A_113 = arith.constant 0 : i32
      %dma_start3A_114 = arith.constant 0 : i32
      %dma_start3A_115 = tpu.memref_slice %arg6[%dma_start3A_111, %dma_start3A_113, %dma_start3A_114] : memref<2x256x128xf32, #tpu.memory_space<vmem>> -> memref<1x256x128xf32, #tpu.memory_space<vmem>>
      %dma_start3A_116 = tpu.memref_squeeze %dma_start3A_115 : memref<1x256x128xf32, #tpu.memory_space<vmem>> -> memref<256x128xf32, #tpu.memory_space<vmem>>
      %dma_start3A_117 = arith.constant 0 : i32
      %dma_start3A_118 = arith.constant 0 : i32
      %dma_start3A_119 = tpu.memref_slice %dma_start3A_116[%dma_start3A_117, %dma_start3A_118] : memref<256x128xf32, #tpu.memory_space<vmem>> -> memref<128x128xf32, #tpu.memory_space<vmem>>
      %dma_start3A_120 = arith.constant 0 : i32
      %dma_start3A_121 = tpu.memref_slice %arg5[%dma_start3A_110, %dma_start3A_120] : memref<2x256xi32, #tpu.memory_space<vmem>> -> memref<1x256xi32, #tpu.memory_space<vmem>>
      %dma_start3A_122 = tpu.memref_squeeze %dma_start3A_121 : memref<1x256xi32, #tpu.memory_space<vmem>> -> memref<256xi32, #tpu.memory_space<vmem>>
      %dma_start3A_123 = arith.constant 0 : i32
      %dma_start3A_124 = tpu.memref_slice %dma_start3A_122[%dma_start3A_123] : memref<256xi32, #tpu.memory_space<vmem>> -> memref<128xi32, #tpu.memory_space<vmem>>
      %dma_start3A_125 = arith.constant 0 : i32
      %dma_start3A_126 = arith.constant 0 : i32
      %dma_start3A_127 = tpu.memref_slice %arg2[%dma_start3A_125, %dma_start3A_126] : memref<50000x128xf32, #tpu.memory_space<hbm>> -> memref<50000x128xf32, #tpu.memory_space<hbm>>
      %dma_start3A_128 = tpu.memref_slice %arg8[%dma_start3A_112] : memref<2x!tpu.dma_semaphore, #tpu.memory_space<semaphore_mem>> -> memref<1x!tpu.dma_semaphore, #tpu.memory_space<semaphore_mem>>
      %dma_start3A_129 = tpu.memref_squeeze %dma_start3A_128 : memref<1x!tpu.dma_semaphore, #tpu.memory_space<semaphore_mem>> -> memref<!tpu.dma_semaphore, #tpu.memory_space<semaphore_mem>>
      tpu.enqueue_indirect_dma source(%dma_start3A_127 : memref<50000x128xf32, #tpu.memory_space<hbm>>) target(%dma_start3A_119 : memref<128x128xf32, #tpu.memory_space<vmem>>) offsets(%dma_start3A_124 : memref<128xi32, #tpu.memory_space<vmem>>) semaphore(%dma_start3A_129 : memref<!tpu.dma_semaphore, #tpu.memory_space<semaphore_mem>>)
      %dma_start3A_130 = arith.constant 0 : i32
      %dma_start3A_131 = arith.constant 0 : i32
      %dma_start3A_132 = arith.constant 0 : i32
      %dma_start3A_133 = arith.constant 0 : i32
      %dma_start3A_134 = arith.constant 0 : i32
      %dma_start3A_135 = tpu.memref_slice %arg6[%dma_start3A_131, %dma_start3A_133, %dma_start3A_134] : memref<2x256x128xf32, #tpu.memory_space<vmem>> -> memref<1x256x128xf32, #tpu.memory_space<vmem>>
      %dma_start3A_136 = tpu.memref_squeeze %dma_start3A_135 : memref<1x256x128xf32, #tpu.memory_space<vmem>> -> memref<256x128xf32, #tpu.memory_space<vmem>>
      %dma_start3A_137 = arith.constant 128 : i32
      %dma_start3A_138 = arith.constant 0 : i32
      %dma_start3A_139 = tpu.memref_slice %dma_start3A_136[%dma_start3A_137, %dma_start3A_138] : memref<256x128xf32, #tpu.memory_space<vmem>> -> memref<128x128xf32, #tpu.memory_space<vmem>>
      %dma_start3A_140 = arith.constant 0 : i32
      %dma_start3A_141 = tpu.memref_slice %arg5[%dma_start3A_130, %dma_start3A_140] : memref<2x256xi32, #tpu.memory_space<vmem>> -> memref<1x256xi32, #tpu.memory_space<vmem>>
      %dma_start3A_142 = tpu.memref_squeeze %dma_start3A_141 : memref<1x256xi32, #tpu.memory_space<vmem>> -> memref<256xi32, #tpu.memory_space<vmem>>
      %dma_start3A_143 = arith.constant 128 : i32
      %dma_start3A_144 = tpu.memref_slice %dma_start3A_142[%dma_start3A_143] : memref<256xi32, #tpu.memory_space<vmem>> -> memref<128xi32, #tpu.memory_space<vmem>>
      %dma_start3A_145 = arith.constant 0 : i32
      %dma_start3A_146 = arith.constant 0 : i32
      %dma_start3A_147 = tpu.memref_slice %arg2[%dma_start3A_145, %dma_start3A_146] : memref<50000x128xf32, #tpu.memory_space<hbm>> -> memref<50000x128xf32, #tpu.memory_space<hbm>>
      %dma_start3A_148 = tpu.memref_slice %arg8[%dma_start3A_132] : memref<2x!tpu.dma_semaphore, #tpu.memory_space<semaphore_mem>> -> memref<1x!tpu.dma_semaphore, #tpu.memory_space<semaphore_mem>>
      %dma_start3A_149 = tpu.memref_squeeze %dma_start3A_148 : memref<1x!tpu.dma_semaphore, #tpu.memory_space<semaphore_mem>> -> memref<!tpu.dma_semaphore, #tpu.memory_space<semaphore_mem>>
      tpu.enqueue_indirect_dma source(%dma_start3A_147 : memref<50000x128xf32, #tpu.memory_space<hbm>>) target(%dma_start3A_139 : memref<128x128xf32, #tpu.memory_space<vmem>>) offsets(%dma_start3A_144 : memref<128xi32, #tpu.memory_space<vmem>>) semaphore(%dma_start3A_149 : memref<!tpu.dma_semaphore, #tpu.memory_space<semaphore_mem>>)
      %dma_wait3A_150 = arith.constant 0 : i32
      %dma_wait3A_151 = arith.constant 0 : i32
      %dma_wait3A_152 = arith.constant 0 : i32
      %dma_wait3A_153 = arith.constant 0 : i32
      %dma_wait3A_154 = arith.constant 0 : i32
      %dma_wait3A_155 = tpu.memref_slice %arg6[%dma_wait3A_151, %dma_wait3A_153, %dma_wait3A_154] : memref<2x256x128xf32, #tpu.memory_space<vmem>> -> memref<1x256x128xf32, #tpu.memory_space<vmem>>
      %dma_wait3A_156 = tpu.memref_squeeze %dma_wait3A_155 : memref<1x256x128xf32, #tpu.memory_space<vmem>> -> memref<256x128xf32, #tpu.memory_space<vmem>>
      %dma_wait3A_157 = arith.constant 0 : i32
      %dma_wait3A_158 = arith.constant 0 : i32
      %dma_wait3A_159 = tpu.memref_slice %dma_wait3A_156[%dma_wait3A_157, %dma_wait3A_158] : memref<256x128xf32, #tpu.memory_space<vmem>> -> memref<128x128xf32, #tpu.memory_space<vmem>>
      %dma_wait3A_160 = arith.constant 0 : i32
      %dma_wait3A_161 = tpu.memref_slice %arg5[%dma_wait3A_150, %dma_wait3A_160] : memref<2x256xi32, #tpu.memory_space<vmem>> -> memref<1x256xi32, #tpu.memory_space<vmem>>
      %dma_wait3A_162 = tpu.memref_squeeze %dma_wait3A_161 : memref<1x256xi32, #tpu.memory_space<vmem>> -> memref<256xi32, #tpu.memory_space<vmem>>
      %dma_wait3A_163 = arith.constant 0 : i32
      %dma_wait3A_164 = tpu.memref_slice %dma_wait3A_162[%dma_wait3A_163] : memref<256xi32, #tpu.memory_space<vmem>> -> memref<128xi32, #tpu.memory_space<vmem>>
      %dma_wait3A_165 = arith.constant 0 : i32
      %dma_wait3A_166 = arith.constant 0 : i32
      %dma_wait3A_167 = tpu.memref_slice %arg2[%dma_wait3A_165, %dma_wait3A_166] : memref<50000x128xf32, #tpu.memory_space<hbm>> -> memref<50000x128xf32, #tpu.memory_space<hbm>>
      %dma_wait3A_168 = tpu.memref_slice %arg8[%dma_wait3A_152] : memref<2x!tpu.dma_semaphore, #tpu.memory_space<semaphore_mem>> -> memref<1x!tpu.dma_semaphore, #tpu.memory_space<semaphore_mem>>
      %dma_wait3A_169 = tpu.memref_squeeze %dma_wait3A_168 : memref<1x!tpu.dma_semaphore, #tpu.memory_space<semaphore_mem>> -> memref<!tpu.dma_semaphore, #tpu.memory_space<semaphore_mem>>
      tpu.wait_indirect_dma semaphore(%dma_wait3A_169 : memref<!tpu.dma_semaphore, #tpu.memory_space<semaphore_mem>>) src(%dma_wait3A_167 : memref<50000x128xf32, #tpu.memory_space<hbm>>) dst(%dma_wait3A_159 : memref<128x128xf32, #tpu.memory_space<vmem>>)
      %dma_wait3A_170 = arith.constant 0 : i32
      %dma_wait3A_171 = arith.constant 0 : i32
      %dma_wait3A_172 = arith.constant 0 : i32
      %dma_wait3A_173 = arith.constant 0 : i32
      %dma_wait3A_174 = arith.constant 0 : i32
      %dma_wait3A_175 = tpu.memref_slice %arg6[%dma_wait3A_171, %dma_wait3A_173, %dma_wait3A_174] : memref<2x256x128xf32, #tpu.memory_space<vmem>> -> memref<1x256x128xf32, #tpu.memory_space<vmem>>
      %dma_wait3A_176 = tpu.memref_squeeze %dma_wait3A_175 : memref<1x256x128xf32, #tpu.memory_space<vmem>> -> memref<256x128xf32, #tpu.memory_space<vmem>>
      %dma_wait3A_177 = arith.constant 128 : i32
      %dma_wait3A_178 = arith.constant 0 : i32
      %dma_wait3A_179 = tpu.memref_slice %dma_wait3A_176[%dma_wait3A_177, %dma_wait3A_178] : memref<256x128xf32, #tpu.memory_space<vmem>> -> memref<128x128xf32, #tpu.memory_space<vmem>>
      %dma_wait3A_180 = arith.constant 0 : i32
      %dma_wait3A_181 = tpu.memref_slice %arg5[%dma_wait3A_170, %dma_wait3A_180] : memref<2x256xi32, #tpu.memory_space<vmem>> -> memref<1x256xi32, #tpu.memory_space<vmem>>
      %dma_wait3A_182 = tpu.memref_squeeze %dma_wait3A_181 : memref<1x256xi32, #tpu.memory_space<vmem>> -> memref<256xi32, #tpu.memory_space<vmem>>
      %dma_wait3A_183 = arith.constant 128 : i32
      %dma_wait3A_184 = tpu.memref_slice %dma_wait3A_182[%dma_wait3A_183] : memref<256xi32, #tpu.memory_space<vmem>> -> memref<128xi32, #tpu.memory_space<vmem>>
      %dma_wait3A_185 = arith.constant 0 : i32
      %dma_wait3A_186 = arith.constant 0 : i32
      %dma_wait3A_187 = tpu.memref_slice %arg2[%dma_wait3A_185, %dma_wait3A_186] : memref<50000x128xf32, #tpu.memory_space<hbm>> -> memref<50000x128xf32, #tpu.memory_space<hbm>>
      %dma_wait3A_188 = tpu.memref_slice %arg8[%dma_wait3A_172] : memref<2x!tpu.dma_semaphore, #tpu.memory_space<semaphore_mem>> -> memref<1x!tpu.dma_semaphore, #tpu.memory_space<semaphore_mem>>
      %dma_wait3A_189 = tpu.memref_squeeze %dma_wait3A_188 : memref<1x!tpu.dma_semaphore, #tpu.memory_space<semaphore_mem>> -> memref<!tpu.dma_semaphore, #tpu.memory_space<semaphore_mem>>
      tpu.wait_indirect_dma semaphore(%dma_wait3A_189 : memref<!tpu.dma_semaphore, #tpu.memory_space<semaphore_mem>>) src(%dma_wait3A_187 : memref<50000x128xf32, #tpu.memory_space<hbm>>) dst(%dma_wait3A_179 : memref<128x128xf32, #tpu.memory_space<vmem>>)
      %mul3A_190 = arith.constant 256 : i32
      %mul3A_191 = arith.muli %add3A_91, %mul3A_190 : i32
      %dma_start3A_192 = arith.constant 0 : i32
      %dma_start3A_193 = arith.constant 0 : i32
      %dma_start3A_194 = arith.constant 0 : i32
      %dma_start3A_195 = arith.constant 0 : i32
      %dma_start3A_196 = tpu.memref_slice %arg6[%dma_start3A_192, %dma_start3A_194, %dma_start3A_195] : memref<2x256x128xf32, #tpu.memory_space<vmem>> -> memref<1x256x128xf32, #tpu.memory_space<vmem>>
      %dma_start3A_197 = tpu.memref_squeeze %dma_start3A_196 : memref<1x256x128xf32, #tpu.memory_space<vmem>> -> memref<256x128xf32, #tpu.memory_space<vmem>>
      %dma_start3A_198 = arith.constant 0 : i32
      %dma_start3A_199 = tpu.memref_slice %arg4[%mul3A_191, %dma_start3A_198] : memref<1605632x128xf32, #tpu.memory_space<hbm>> -> memref<256x128xf32, #tpu.memory_space<hbm>>
      %dma_start3A_200 = tpu.memref_slice %arg9[%dma_start3A_193] : memref<2x!tpu.dma_semaphore, #tpu.memory_space<semaphore_mem>> -> memref<1x!tpu.dma_semaphore, #tpu.memory_space<semaphore_mem>>
      %dma_start3A_201 = tpu.memref_squeeze %dma_start3A_200 : memref<1x!tpu.dma_semaphore, #tpu.memory_space<semaphore_mem>> -> memref<!tpu.dma_semaphore, #tpu.memory_space<semaphore_mem>>
      %dma_start3A_202 = arith.constant 0 : i32
      %dma_start3A_203 = tpu.memref_slice %arg4[%mul3A_191, %dma_start3A_202] : memref<1605632x128xf32, #tpu.memory_space<hbm>> -> memref<256x128xf32, #tpu.memory_space<hbm>>
      %dma_start3A_204 = arith.constant 0 : i32
      %dma_start3A_205 = arith.constant 0 : i32
      %dma_start3A_206 = tpu.memref_slice %arg6[%dma_start3A_192, %dma_start3A_204, %dma_start3A_205] : memref<2x256x128xf32, #tpu.memory_space<vmem>> -> memref<1x256x128xf32, #tpu.memory_space<vmem>>
      %dma_start3A_207 = tpu.memref_squeeze %dma_start3A_206 : memref<1x256x128xf32, #tpu.memory_space<vmem>> -> memref<256x128xf32, #tpu.memory_space<vmem>>
      tpu.enqueue_dma source(%dma_start3A_207 : memref<256x128xf32, #tpu.memory_space<vmem>>) target(%dma_start3A_203 : memref<256x128xf32, #tpu.memory_space<hbm>>) target_semaphore(%dma_start3A_201 : memref<!tpu.dma_semaphore, #tpu.memory_space<semaphore_mem>>)
      %add3A_208 = arith.constant 0 : i32
      %add3A_209 = arith.addi %add3A_88, %add3A_208 : i32
      %add3A_210 = arith.constant 2 : i32
      %add3A_211 = arith.addi %add3A_209, %add3A_210 : i32
      %lt3A = arith.constant 196 : i32
      %lt3A_212 = arith.cmpi slt, %add3A_211, %lt3A : i32
      %convert_element_type3A_213 = arith.extui %lt3A_212 : i1 to i32
      %cond3A_214 = arith.constant 0 : i32
      %cond3A_215 = arith.cmpi ne, %convert_element_type3A_213, %cond3A_214 : i32
      scf.if %cond3A_215 {
        %add3A_347 = arith.constant 2 : i32
        %add3A_348 = arith.addi %add3A_91, %add3A_347 : i32
        %mul3A_349 = arith.constant 256 : i32
        %mul3A_350 = arith.muli %add3A_348, %mul3A_349 : i32
        %dma_start3A_351 = arith.constant 0 : i32
        %dma_start3A_352 = arith.constant 0 : i32
        %dma_start3A_353 = arith.constant 0 : i32
        %dma_start3A_354 = tpu.memref_slice %arg5[%dma_start3A_351, %dma_start3A_353] : memref<2x256xi32, #tpu.memory_space<vmem>> -> memref<1x256xi32, #tpu.memory_space<vmem>>
        %dma_start3A_355 = tpu.memref_squeeze %dma_start3A_354 : memref<1x256xi32, #tpu.memory_space<vmem>> -> memref<256xi32, #tpu.memory_space<vmem>>
        %dma_start3A_356 = tpu.memref_slice %arg3[%mul3A_350] : memref<1605632xi32, #tpu.memory_space<hbm>> -> memref<256xi32, #tpu.memory_space<hbm>>
        %dma_start3A_357 = tpu.memref_slice %arg7[%dma_start3A_352] : memref<2x!tpu.dma_semaphore, #tpu.memory_space<semaphore_mem>> -> memref<1x!tpu.dma_semaphore, #tpu.memory_space<semaphore_mem>>
        %dma_start3A_358 = tpu.memref_squeeze %dma_start3A_357 : memref<1x!tpu.dma_semaphore, #tpu.memory_space<semaphore_mem>> -> memref<!tpu.dma_semaphore, #tpu.memory_space<semaphore_mem>>
        %dma_start3A_359 = arith.constant 0 : i32
        %dma_start3A_360 = tpu.memref_slice %arg5[%dma_start3A_351, %dma_start3A_359] : memref<2x256xi32, #tpu.memory_space<vmem>> -> memref<1x256xi32, #tpu.memory_space<vmem>>
        %dma_start3A_361 = tpu.memref_squeeze %dma_start3A_360 : memref<1x256xi32, #tpu.memory_space<vmem>> -> memref<256xi32, #tpu.memory_space<vmem>>
        %dma_start3A_362 = tpu.memref_slice %arg3[%mul3A_350] : memref<1605632xi32, #tpu.memory_space<hbm>> -> memref<256xi32, #tpu.memory_space<hbm>>
        tpu.enqueue_dma source(%dma_start3A_362 : memref<256xi32, #tpu.memory_space<hbm>>) target(%dma_start3A_361 : memref<256xi32, #tpu.memory_space<vmem>>) target_semaphore(%dma_start3A_358 : memref<!tpu.dma_semaphore, #tpu.memory_space<semaphore_mem>>)
      } else {
      }
      %add3A_216 = arith.addi %mul3A_2, %add3A_88 : i32
      %add3A_217 = arith.constant 1 : i32
      %add3A_218 = arith.addi %add3A_216, %add3A_217 : i32
      %mul3A_219 = arith.constant 256 : i32
      %mul3A_220 = arith.muli %add3A_218, %mul3A_219 : i32
      %dma_wait3A_221 = arith.constant 1 : i32
      %dma_wait3A_222 = arith.constant 1 : i32
      %dma_wait3A_223 = arith.constant 0 : i32
      %dma_wait3A_224 = tpu.memref_slice %arg5[%dma_wait3A_221, %dma_wait3A_223] : memref<2x256xi32, #tpu.memory_space<vmem>> -> memref<1x256xi32, #tpu.memory_space<vmem>>
      %dma_wait3A_225 = tpu.memref_squeeze %dma_wait3A_224 : memref<1x256xi32, #tpu.memory_space<vmem>> -> memref<256xi32, #tpu.memory_space<vmem>>
      %dma_wait3A_226 = tpu.memref_slice %arg3[%mul3A_220] : memref<1605632xi32, #tpu.memory_space<hbm>> -> memref<256xi32, #tpu.memory_space<hbm>>
      %dma_wait3A_227 = tpu.memref_slice %arg7[%dma_wait3A_222] : memref<2x!tpu.dma_semaphore, #tpu.memory_space<semaphore_mem>> -> memref<1x!tpu.dma_semaphore, #tpu.memory_space<semaphore_mem>>
      %dma_wait3A_228 = tpu.memref_squeeze %dma_wait3A_227 : memref<1x!tpu.dma_semaphore, #tpu.memory_space<semaphore_mem>> -> memref<!tpu.dma_semaphore, #tpu.memory_space<semaphore_mem>>
      %dma_wait3A_229 = arith.constant 0 : i32
      %dma_wait3A_230 = tpu.memref_slice %arg5[%dma_wait3A_221, %dma_wait3A_229] : memref<2x256xi32, #tpu.memory_space<vmem>> -> memref<1x256xi32, #tpu.memory_space<vmem>>
      %dma_wait3A_231 = tpu.memref_squeeze %dma_wait3A_230 : memref<1x256xi32, #tpu.memory_space<vmem>> -> memref<256xi32, #tpu.memory_space<vmem>>
      %dma_wait3A_232 = tpu.memref_slice %arg3[%mul3A_220] : memref<1605632xi32, #tpu.memory_space<hbm>> -> memref<256xi32, #tpu.memory_space<hbm>>
      tpu.wait_dma2 semaphore(%dma_wait3A_228 : memref<!tpu.dma_semaphore, #tpu.memory_space<semaphore_mem>>) src(%dma_wait3A_232 : memref<256xi32, #tpu.memory_space<hbm>>) dst(%dma_wait3A_231 : memref<256xi32, #tpu.memory_space<vmem>>)
      %add3A_233 = arith.constant 1 : i32
      %add3A_234 = arith.addi %add3A_88, %add3A_233 : i32
      %ge3A_235 = arith.constant 2 : i32
      %ge3A_236 = arith.cmpi sge, %add3A_234, %ge3A_235 : i32
      %convert_element_type3A_237 = arith.extui %ge3A_236 : i1 to i32
      %cond3A_238 = arith.constant 0 : i32
      %cond3A_239 = arith.cmpi ne, %convert_element_type3A_237, %cond3A_238 : i32
      scf.if %cond3A_239 {
        %sub3A_347 = arith.constant 2 : i32
        %sub3A_348 = arith.subi %add3A_218, %sub3A_347 : i32
        %mul3A_349 = arith.constant 256 : i32
        %mul3A_350 = arith.muli %sub3A_348, %mul3A_349 : i32
        %dma_wait3A_351 = arith.constant 1 : i32
        %dma_wait3A_352 = arith.constant 1 : i32
        %dma_wait3A_353 = arith.constant 0 : i32
        %dma_wait3A_354 = arith.constant 0 : i32
        %dma_wait3A_355 = tpu.memref_slice %arg6[%dma_wait3A_351, %dma_wait3A_353, %dma_wait3A_354] : memref<2x256x128xf32, #tpu.memory_space<vmem>> -> memref<1x256x128xf32, #tpu.memory_space<vmem>>
        %dma_wait3A_356 = tpu.memref_squeeze %dma_wait3A_355 : memref<1x256x128xf32, #tpu.memory_space<vmem>> -> memref<256x128xf32, #tpu.memory_space<vmem>>
        %dma_wait3A_357 = arith.constant 0 : i32
        %dma_wait3A_358 = tpu.memref_slice %arg4[%mul3A_350, %dma_wait3A_357] : memref<1605632x128xf32, #tpu.memory_space<hbm>> -> memref<256x128xf32, #tpu.memory_space<hbm>>
        %dma_wait3A_359 = tpu.memref_slice %arg9[%dma_wait3A_352] : memref<2x!tpu.dma_semaphore, #tpu.memory_space<semaphore_mem>> -> memref<1x!tpu.dma_semaphore, #tpu.memory_space<semaphore_mem>>
        %dma_wait3A_360 = tpu.memref_squeeze %dma_wait3A_359 : memref<1x!tpu.dma_semaphore, #tpu.memory_space<semaphore_mem>> -> memref<!tpu.dma_semaphore, #tpu.memory_space<semaphore_mem>>
        %dma_wait3A_361 = arith.constant 0 : i32
        %dma_wait3A_362 = tpu.memref_slice %arg4[%mul3A_350, %dma_wait3A_361] : memref<1605632x128xf32, #tpu.memory_space<hbm>> -> memref<256x128xf32, #tpu.memory_space<hbm>>
        %dma_wait3A_363 = arith.constant 0 : i32
        %dma_wait3A_364 = arith.constant 0 : i32
        %dma_wait3A_365 = tpu.memref_slice %arg6[%dma_wait3A_351, %dma_wait3A_363, %dma_wait3A_364] : memref<2x256x128xf32, #tpu.memory_space<vmem>> -> memref<1x256x128xf32, #tpu.memory_space<vmem>>
        %dma_wait3A_366 = tpu.memref_squeeze %dma_wait3A_365 : memref<1x256x128xf32, #tpu.memory_space<vmem>> -> memref<256x128xf32, #tpu.memory_space<vmem>>
        tpu.wait_dma2 semaphore(%dma_wait3A_360 : memref<!tpu.dma_semaphore, #tpu.memory_space<semaphore_mem>>) src(%dma_wait3A_366 : memref<256x128xf32, #tpu.memory_space<vmem>>) dst(%dma_wait3A_362 : memref<256x128xf32, #tpu.memory_space<hbm>>)
      } else {
      }
      %dma_start3A_240 = arith.constant 1 : i32
      %dma_start3A_241 = arith.constant 1 : i32
      %dma_start3A_242 = arith.constant 1 : i32
      %dma_start3A_243 = arith.constant 0 : i32
      %dma_start3A_244 = arith.constant 0 : i32
      %dma_start3A_245 = tpu.memref_slice %arg6[%dma_start3A_241, %dma_start3A_243, %dma_start3A_244] : memref<2x256x128xf32, #tpu.memory_space<vmem>> -> memref<1x256x128xf32, #tpu.memory_space<vmem>>
      %dma_start3A_246 = tpu.memref_squeeze %dma_start3A_245 : memref<1x256x128xf32, #tpu.memory_space<vmem>> -> memref<256x128xf32, #tpu.memory_space<vmem>>
      %dma_start3A_247 = arith.constant 0 : i32
      %dma_start3A_248 = arith.constant 0 : i32
      %dma_start3A_249 = tpu.memref_slice %dma_start3A_246[%dma_start3A_247, %dma_start3A_248] : memref<256x128xf32, #tpu.memory_space<vmem>> -> memref<128x128xf32, #tpu.memory_space<vmem>>
      %dma_start3A_250 = arith.constant 0 : i32
      %dma_start3A_251 = tpu.memref_slice %arg5[%dma_start3A_240, %dma_start3A_250] : memref<2x256xi32, #tpu.memory_space<vmem>> -> memref<1x256xi32, #tpu.memory_space<vmem>>
      %dma_start3A_252 = tpu.memref_squeeze %dma_start3A_251 : memref<1x256xi32, #tpu.memory_space<vmem>> -> memref<256xi32, #tpu.memory_space<vmem>>
      %dma_start3A_253 = arith.constant 0 : i32
      %dma_start3A_254 = tpu.memref_slice %dma_start3A_252[%dma_start3A_253] : memref<256xi32, #tpu.memory_space<vmem>> -> memref<128xi32, #tpu.memory_space<vmem>>
      %dma_start3A_255 = arith.constant 0 : i32
      %dma_start3A_256 = arith.constant 0 : i32
      %dma_start3A_257 = tpu.memref_slice %arg2[%dma_start3A_255, %dma_start3A_256] : memref<50000x128xf32, #tpu.memory_space<hbm>> -> memref<50000x128xf32, #tpu.memory_space<hbm>>
      %dma_start3A_258 = tpu.memref_slice %arg8[%dma_start3A_242] : memref<2x!tpu.dma_semaphore, #tpu.memory_space<semaphore_mem>> -> memref<1x!tpu.dma_semaphore, #tpu.memory_space<semaphore_mem>>
      %dma_start3A_259 = tpu.memref_squeeze %dma_start3A_258 : memref<1x!tpu.dma_semaphore, #tpu.memory_space<semaphore_mem>> -> memref<!tpu.dma_semaphore, #tpu.memory_space<semaphore_mem>>
      tpu.enqueue_indirect_dma source(%dma_start3A_257 : memref<50000x128xf32, #tpu.memory_space<hbm>>) target(%dma_start3A_249 : memref<128x128xf32, #tpu.memory_space<vmem>>) offsets(%dma_start3A_254 : memref<128xi32, #tpu.memory_space<vmem>>) semaphore(%dma_start3A_259 : memref<!tpu.dma_semaphore, #tpu.memory_space<semaphore_mem>>)
      %dma_start3A_260 = arith.constant 1 : i32
      %dma_start3A_261 = arith.constant 1 : i32
      %dma_start3A_262 = arith.constant 1 : i32
      %dma_start3A_263 = arith.constant 0 : i32
      %dma_start3A_264 = arith.constant 0 : i32
      %dma_start3A_265 = tpu.memref_slice %arg6[%dma_start3A_261, %dma_start3A_263, %dma_start3A_264] : memref<2x256x128xf32, #tpu.memory_space<vmem>> -> memref<1x256x128xf32, #tpu.memory_space<vmem>>
      %dma_start3A_266 = tpu.memref_squeeze %dma_start3A_265 : memref<1x256x128xf32, #tpu.memory_space<vmem>> -> memref<256x128xf32, #tpu.memory_space<vmem>>
      %dma_start3A_267 = arith.constant 128 : i32
      %dma_start3A_268 = arith.constant 0 : i32
      %dma_start3A_269 = tpu.memref_slice %dma_start3A_266[%dma_start3A_267, %dma_start3A_268] : memref<256x128xf32, #tpu.memory_space<vmem>> -> memref<128x128xf32, #tpu.memory_space<vmem>>
      %dma_start3A_270 = arith.constant 0 : i32
      %dma_start3A_271 = tpu.memref_slice %arg5[%dma_start3A_260, %dma_start3A_270] : memref<2x256xi32, #tpu.memory_space<vmem>> -> memref<1x256xi32, #tpu.memory_space<vmem>>
      %dma_start3A_272 = tpu.memref_squeeze %dma_start3A_271 : memref<1x256xi32, #tpu.memory_space<vmem>> -> memref<256xi32, #tpu.memory_space<vmem>>
      %dma_start3A_273 = arith.constant 128 : i32
      %dma_start3A_274 = tpu.memref_slice %dma_start3A_272[%dma_start3A_273] : memref<256xi32, #tpu.memory_space<vmem>> -> memref<128xi32, #tpu.memory_space<vmem>>
      %dma_start3A_275 = arith.constant 0 : i32
      %dma_start3A_276 = arith.constant 0 : i32
      %dma_start3A_277 = tpu.memref_slice %arg2[%dma_start3A_275, %dma_start3A_276] : memref<50000x128xf32, #tpu.memory_space<hbm>> -> memref<50000x128xf32, #tpu.memory_space<hbm>>
      %dma_start3A_278 = tpu.memref_slice %arg8[%dma_start3A_262] : memref<2x!tpu.dma_semaphore, #tpu.memory_space<semaphore_mem>> -> memref<1x!tpu.dma_semaphore, #tpu.memory_space<semaphore_mem>>
      %dma_start3A_279 = tpu.memref_squeeze %dma_start3A_278 : memref<1x!tpu.dma_semaphore, #tpu.memory_space<semaphore_mem>> -> memref<!tpu.dma_semaphore, #tpu.memory_space<semaphore_mem>>
      tpu.enqueue_indirect_dma source(%dma_start3A_277 : memref<50000x128xf32, #tpu.memory_space<hbm>>) target(%dma_start3A_269 : memref<128x128xf32, #tpu.memory_space<vmem>>) offsets(%dma_start3A_274 : memref<128xi32, #tpu.memory_space<vmem>>) semaphore(%dma_start3A_279 : memref<!tpu.dma_semaphore, #tpu.memory_space<semaphore_mem>>)
      %dma_wait3A_280 = arith.constant 1 : i32
      %dma_wait3A_281 = arith.constant 1 : i32
      %dma_wait3A_282 = arith.constant 1 : i32
      %dma_wait3A_283 = arith.constant 0 : i32
      %dma_wait3A_284 = arith.constant 0 : i32
      %dma_wait3A_285 = tpu.memref_slice %arg6[%dma_wait3A_281, %dma_wait3A_283, %dma_wait3A_284] : memref<2x256x128xf32, #tpu.memory_space<vmem>> -> memref<1x256x128xf32, #tpu.memory_space<vmem>>
      %dma_wait3A_286 = tpu.memref_squeeze %dma_wait3A_285 : memref<1x256x128xf32, #tpu.memory_space<vmem>> -> memref<256x128xf32, #tpu.memory_space<vmem>>
      %dma_wait3A_287 = arith.constant 0 : i32
      %dma_wait3A_288 = arith.constant 0 : i32
      %dma_wait3A_289 = tpu.memref_slice %dma_wait3A_286[%dma_wait3A_287, %dma_wait3A_288] : memref<256x128xf32, #tpu.memory_space<vmem>> -> memref<128x128xf32, #tpu.memory_space<vmem>>
      %dma_wait3A_290 = arith.constant 0 : i32
      %dma_wait3A_291 = tpu.memref_slice %arg5[%dma_wait3A_280, %dma_wait3A_290] : memref<2x256xi32, #tpu.memory_space<vmem>> -> memref<1x256xi32, #tpu.memory_space<vmem>>
      %dma_wait3A_292 = tpu.memref_squeeze %dma_wait3A_291 : memref<1x256xi32, #tpu.memory_space<vmem>> -> memref<256xi32, #tpu.memory_space<vmem>>
      %dma_wait3A_293 = arith.constant 0 : i32
      %dma_wait3A_294 = tpu.memref_slice %dma_wait3A_292[%dma_wait3A_293] : memref<256xi32, #tpu.memory_space<vmem>> -> memref<128xi32, #tpu.memory_space<vmem>>
      %dma_wait3A_295 = arith.constant 0 : i32
      %dma_wait3A_296 = arith.constant 0 : i32
      %dma_wait3A_297 = tpu.memref_slice %arg2[%dma_wait3A_295, %dma_wait3A_296] : memref<50000x128xf32, #tpu.memory_space<hbm>> -> memref<50000x128xf32, #tpu.memory_space<hbm>>
      %dma_wait3A_298 = tpu.memref_slice %arg8[%dma_wait3A_282] : memref<2x!tpu.dma_semaphore, #tpu.memory_space<semaphore_mem>> -> memref<1x!tpu.dma_semaphore, #tpu.memory_space<semaphore_mem>>
      %dma_wait3A_299 = tpu.memref_squeeze %dma_wait3A_298 : memref<1x!tpu.dma_semaphore, #tpu.memory_space<semaphore_mem>> -> memref<!tpu.dma_semaphore, #tpu.memory_space<semaphore_mem>>
      tpu.wait_indirect_dma semaphore(%dma_wait3A_299 : memref<!tpu.dma_semaphore, #tpu.memory_space<semaphore_mem>>) src(%dma_wait3A_297 : memref<50000x128xf32, #tpu.memory_space<hbm>>) dst(%dma_wait3A_289 : memref<128x128xf32, #tpu.memory_space<vmem>>)
      %dma_wait3A_300 = arith.constant 1 : i32
      %dma_wait3A_301 = arith.constant 1 : i32
      %dma_wait3A_302 = arith.constant 1 : i32
      %dma_wait3A_303 = arith.constant 0 : i32
      %dma_wait3A_304 = arith.constant 0 : i32
      %dma_wait3A_305 = tpu.memref_slice %arg6[%dma_wait3A_301, %dma_wait3A_303, %dma_wait3A_304] : memref<2x256x128xf32, #tpu.memory_space<vmem>> -> memref<1x256x128xf32, #tpu.memory_space<vmem>>
      %dma_wait3A_306 = tpu.memref_squeeze %dma_wait3A_305 : memref<1x256x128xf32, #tpu.memory_space<vmem>> -> memref<256x128xf32, #tpu.memory_space<vmem>>
      %dma_wait3A_307 = arith.constant 128 : i32
      %dma_wait3A_308 = arith.constant 0 : i32
      %dma_wait3A_309 = tpu.memref_slice %dma_wait3A_306[%dma_wait3A_307, %dma_wait3A_308] : memref<256x128xf32, #tpu.memory_space<vmem>> -> memref<128x128xf32, #tpu.memory_space<vmem>>
      %dma_wait3A_310 = arith.constant 0 : i32
      %dma_wait3A_311 = tpu.memref_slice %arg5[%dma_wait3A_300, %dma_wait3A_310] : memref<2x256xi32, #tpu.memory_space<vmem>> -> memref<1x256xi32, #tpu.memory_space<vmem>>
      %dma_wait3A_312 = tpu.memref_squeeze %dma_wait3A_311 : memref<1x256xi32, #tpu.memory_space<vmem>> -> memref<256xi32, #tpu.memory_space<vmem>>
      %dma_wait3A_313 = arith.constant 128 : i32
      %dma_wait3A_314 = tpu.memref_slice %dma_wait3A_312[%dma_wait3A_313] : memref<256xi32, #tpu.memory_space<vmem>> -> memref<128xi32, #tpu.memory_space<vmem>>
      %dma_wait3A_315 = arith.constant 0 : i32
      %dma_wait3A_316 = arith.constant 0 : i32
      %dma_wait3A_317 = tpu.memref_slice %arg2[%dma_wait3A_315, %dma_wait3A_316] : memref<50000x128xf32, #tpu.memory_space<hbm>> -> memref<50000x128xf32, #tpu.memory_space<hbm>>
      %dma_wait3A_318 = tpu.memref_slice %arg8[%dma_wait3A_302] : memref<2x!tpu.dma_semaphore, #tpu.memory_space<semaphore_mem>> -> memref<1x!tpu.dma_semaphore, #tpu.memory_space<semaphore_mem>>
      %dma_wait3A_319 = tpu.memref_squeeze %dma_wait3A_318 : memref<1x!tpu.dma_semaphore, #tpu.memory_space<semaphore_mem>> -> memref<!tpu.dma_semaphore, #tpu.memory_space<semaphore_mem>>
      tpu.wait_indirect_dma semaphore(%dma_wait3A_319 : memref<!tpu.dma_semaphore, #tpu.memory_space<semaphore_mem>>) src(%dma_wait3A_317 : memref<50000x128xf32, #tpu.memory_space<hbm>>) dst(%dma_wait3A_309 : memref<128x128xf32, #tpu.memory_space<vmem>>)
      %mul3A_320 = arith.constant 256 : i32
      %mul3A_321 = arith.muli %add3A_218, %mul3A_320 : i32
      %dma_start3A_322 = arith.constant 1 : i32
      %dma_start3A_323 = arith.constant 1 : i32
      %dma_start3A_324 = arith.constant 0 : i32
      %dma_start3A_325 = arith.constant 0 : i32
      %dma_start3A_326 = tpu.memref_slice %arg6[%dma_start3A_322, %dma_start3A_324, %dma_start3A_325] : memref<2x256x128xf32, #tpu.memory_space<vmem>> -> memref<1x256x128xf32, #tpu.memory_space<vmem>>
      %dma_start3A_327 = tpu.memref_squeeze %dma_start3A_326 : memref<1x256x128xf32, #tpu.memory_space<vmem>> -> memref<256x128xf32, #tpu.memory_space<vmem>>
      %dma_start3A_328 = arith.constant 0 : i32
      %dma_start3A_329 = tpu.memref_slice %arg4[%mul3A_321, %dma_start3A_328] : memref<1605632x128xf32, #tpu.memory_space<hbm>> -> memref<256x128xf32, #tpu.memory_space<hbm>>
      %dma_start3A_330 = tpu.memref_slice %arg9[%dma_start3A_323] : memref<2x!tpu.dma_semaphore, #tpu.memory_space<semaphore_mem>> -> memref<1x!tpu.dma_semaphore, #tpu.memory_space<semaphore_mem>>
      %dma_start3A_331 = tpu.memref_squeeze %dma_start3A_330 : memref<1x!tpu.dma_semaphore, #tpu.memory_space<semaphore_mem>> -> memref<!tpu.dma_semaphore, #tpu.memory_space<semaphore_mem>>
      %dma_start3A_332 = arith.constant 0 : i32
      %dma_start3A_333 = tpu.memref_slice %arg4[%mul3A_321, %dma_start3A_332] : memref<1605632x128xf32, #tpu.memory_space<hbm>> -> memref<256x128xf32, #tpu.memory_space<hbm>>
      %dma_start3A_334 = arith.constant 0 : i32
      %dma_start3A_335 = arith.constant 0 : i32
      %dma_start3A_336 = tpu.memref_slice %arg6[%dma_start3A_322, %dma_start3A_334, %dma_start3A_335] : memref<2x256x128xf32, #tpu.memory_space<vmem>> -> memref<1x256x128xf32, #tpu.memory_space<vmem>>
      %dma_start3A_337 = tpu.memref_squeeze %dma_start3A_336 : memref<1x256x128xf32, #tpu.memory_space<vmem>> -> memref<256x128xf32, #tpu.memory_space<vmem>>
      tpu.enqueue_dma source(%dma_start3A_337 : memref<256x128xf32, #tpu.memory_space<vmem>>) target(%dma_start3A_333 : memref<256x128xf32, #tpu.memory_space<hbm>>) target_semaphore(%dma_start3A_331 : memref<!tpu.dma_semaphore, #tpu.memory_space<semaphore_mem>>)
      %add3A_338 = arith.constant 1 : i32
      %add3A_339 = arith.addi %add3A_88, %add3A_338 : i32
      %add3A_340 = arith.constant 2 : i32
      %add3A_341 = arith.addi %add3A_339, %add3A_340 : i32
      %lt3A_342 = arith.constant 196 : i32
      %lt3A_343 = arith.cmpi slt, %add3A_341, %lt3A_342 : i32
      %convert_element_type3A_344 = arith.extui %lt3A_343 : i1 to i32
      %cond3A_345 = arith.constant 0 : i32
      %cond3A_346 = arith.cmpi ne, %convert_element_type3A_344, %cond3A_345 : i32
      scf.if %cond3A_346 {
        %add3A_347 = arith.constant 2 : i32
        %add3A_348 = arith.addi %add3A_218, %add3A_347 : i32
        %mul3A_349 = arith.constant 256 : i32
        %mul3A_350 = arith.muli %add3A_348, %mul3A_349 : i32
        %dma_start3A_351 = arith.constant 1 : i32
        %dma_start3A_352 = arith.constant 1 : i32
        %dma_start3A_353 = arith.constant 0 : i32
        %dma_start3A_354 = tpu.memref_slice %arg5[%dma_start3A_351, %dma_start3A_353] : memref<2x256xi32, #tpu.memory_space<vmem>> -> memref<1x256xi32, #tpu.memory_space<vmem>>
        %dma_start3A_355 = tpu.memref_squeeze %dma_start3A_354 : memref<1x256xi32, #tpu.memory_space<vmem>> -> memref<256xi32, #tpu.memory_space<vmem>>
        %dma_start3A_356 = tpu.memref_slice %arg3[%mul3A_350] : memref<1605632xi32, #tpu.memory_space<hbm>> -> memref<256xi32, #tpu.memory_space<hbm>>
        %dma_start3A_357 = tpu.memref_slice %arg7[%dma_start3A_352] : memref<2x!tpu.dma_semaphore, #tpu.memory_space<semaphore_mem>> -> memref<1x!tpu.dma_semaphore, #tpu.memory_space<semaphore_mem>>
        %dma_start3A_358 = tpu.memref_squeeze %dma_start3A_357 : memref<1x!tpu.dma_semaphore, #tpu.memory_space<semaphore_mem>> -> memref<!tpu.dma_semaphore, #tpu.memory_space<semaphore_mem>>
        %dma_start3A_359 = arith.constant 0 : i32
        %dma_start3A_360 = tpu.memref_slice %arg5[%dma_start3A_351, %dma_start3A_359] : memref<2x256xi32, #tpu.memory_space<vmem>> -> memref<1x256xi32, #tpu.memory_space<vmem>>
        %dma_start3A_361 = tpu.memref_squeeze %dma_start3A_360 : memref<1x256xi32, #tpu.memory_space<vmem>> -> memref<256xi32, #tpu.memory_space<vmem>>
        %dma_start3A_362 = tpu.memref_slice %arg3[%mul3A_350] : memref<1605632xi32, #tpu.memory_space<hbm>> -> memref<256xi32, #tpu.memory_space<hbm>>
        tpu.enqueue_dma source(%dma_start3A_362 : memref<256xi32, #tpu.memory_space<hbm>>) target(%dma_start3A_361 : memref<256xi32, #tpu.memory_space<vmem>>) target_semaphore(%dma_start3A_358 : memref<!tpu.dma_semaphore, #tpu.memory_space<semaphore_mem>>)
      } else {
      }
    }
    %scan3A_37 = arith.constant 98 : i32
    %add3A_38 = arith.constant 196 : i32
    %add3A_39 = arith.addi %mul3A_2, %add3A_38 : i32
    %sub3A = arith.constant 2 : i32
    %sub3A_40 = arith.subi %add3A_39, %sub3A : i32
    %add3A_41 = arith.constant 0 : i32
    %add3A_42 = arith.addi %sub3A_40, %add3A_41 : i32
    %mul3A_43 = arith.constant 256 : i32
    %mul3A_44 = arith.muli %add3A_42, %mul3A_43 : i32
    %dma_wait3A = arith.constant 0 : i32
    %dma_wait3A_45 = arith.constant 0 : i32
    %dma_wait3A_46 = arith.constant 0 : i32
    %dma_wait3A_47 = arith.constant 0 : i32
    %dma_wait3A_48 = tpu.memref_slice %arg6[%dma_wait3A, %dma_wait3A_46, %dma_wait3A_47] : memref<2x256x128xf32, #tpu.memory_space<vmem>> -> memref<1x256x128xf32, #tpu.memory_space<vmem>>
    %dma_wait3A_49 = tpu.memref_squeeze %dma_wait3A_48 : memref<1x256x128xf32, #tpu.memory_space<vmem>> -> memref<256x128xf32, #tpu.memory_space<vmem>>
    %dma_wait3A_50 = arith.constant 0 : i32
    %dma_wait3A_51 = tpu.memref_slice %arg4[%mul3A_44, %dma_wait3A_50] : memref<1605632x128xf32, #tpu.memory_space<hbm>> -> memref<256x128xf32, #tpu.memory_space<hbm>>
    %dma_wait3A_52 = tpu.memref_slice %arg9[%dma_wait3A_45] : memref<2x!tpu.dma_semaphore, #tpu.memory_space<semaphore_mem>> -> memref<1x!tpu.dma_semaphore, #tpu.memory_space<semaphore_mem>>
    %dma_wait3A_53 = tpu.memref_squeeze %dma_wait3A_52 : memref<1x!tpu.dma_semaphore, #tpu.memory_space<semaphore_mem>> -> memref<!tpu.dma_semaphore, #tpu.memory_space<semaphore_mem>>
    %dma_wait3A_54 = arith.constant 0 : i32
    %dma_wait3A_55 = tpu.memref_slice %arg4[%mul3A_44, %dma_wait3A_54] : memref<1605632x128xf32, #tpu.memory_space<hbm>> -> memref<256x128xf32, #tpu.memory_space<hbm>>
    %dma_wait3A_56 = arith.constant 0 : i32
    %dma_wait3A_57 = arith.constant 0 : i32
    %dma_wait3A_58 = tpu.memref_slice %arg6[%dma_wait3A, %dma_wait3A_56, %dma_wait3A_57] : memref<2x256x128xf32, #tpu.memory_space<vmem>> -> memref<1x256x128xf32, #tpu.memory_space<vmem>>
    %dma_wait3A_59 = tpu.memref_squeeze %dma_wait3A_58 : memref<1x256x128xf32, #tpu.memory_space<vmem>> -> memref<256x128xf32, #tpu.memory_space<vmem>>
    tpu.wait_dma2 semaphore(%dma_wait3A_53 : memref<!tpu.dma_semaphore, #tpu.memory_space<semaphore_mem>>) src(%dma_wait3A_59 : memref<256x128xf32, #tpu.memory_space<vmem>>) dst(%dma_wait3A_55 : memref<256x128xf32, #tpu.memory_space<hbm>>)
    %add3A_60 = arith.constant 196 : i32
    %add3A_61 = arith.addi %mul3A_2, %add3A_60 : i32
    %sub3A_62 = arith.constant 2 : i32
    %sub3A_63 = arith.subi %add3A_61, %sub3A_62 : i32
    %add3A_64 = arith.constant 1 : i32
    %add3A_65 = arith.addi %sub3A_63, %add3A_64 : i32
    %mul3A_66 = arith.constant 256 : i32
    %mul3A_67 = arith.muli %add3A_65, %mul3A_66 : i32
    %dma_wait3A_68 = arith.constant 1 : i32
    %dma_wait3A_69 = arith.constant 1 : i32
    %dma_wait3A_70 = arith.constant 0 : i32
    %dma_wait3A_71 = arith.constant 0 : i32
    %dma_wait3A_72 = tpu.memref_slice %arg6[%dma_wait3A_68, %dma_wait3A_70, %dma_wait3A_71] : memref<2x256x128xf32, #tpu.memory_space<vmem>> -> memref<1x256x128xf32, #tpu.memory_space<vmem>>
    %dma_wait3A_73 = tpu.memref_squeeze %dma_wait3A_72 : memref<1x256x128xf32, #tpu.memory_space<vmem>> -> memref<256x128xf32, #tpu.memory_space<vmem>>
    %dma_wait3A_74 = arith.constant 0 : i32
    %dma_wait3A_75 = tpu.memref_slice %arg4[%mul3A_67, %dma_wait3A_74] : memref<1605632x128xf32, #tpu.memory_space<hbm>> -> memref<256x128xf32, #tpu.memory_space<hbm>>
    %dma_wait3A_76 = tpu.memref_slice %arg9[%dma_wait3A_69] : memref<2x!tpu.dma_semaphore, #tpu.memory_space<semaphore_mem>> -> memref<1x!tpu.dma_semaphore, #tpu.memory_space<semaphore_mem>>
    %dma_wait3A_77 = tpu.memref_squeeze %dma_wait3A_76 : memref<1x!tpu.dma_semaphore, #tpu.memory_space<semaphore_mem>> -> memref<!tpu.dma_semaphore, #tpu.memory_space<semaphore_mem>>
    %dma_wait3A_78 = arith.constant 0 : i32
    %dma_wait3A_79 = tpu.memref_slice %arg4[%mul3A_67, %dma_wait3A_78] : memref<1605632x128xf32, #tpu.memory_space<hbm>> -> memref<256x128xf32, #tpu.memory_space<hbm>>
    %dma_wait3A_80 = arith.constant 0 : i32
    %dma_wait3A_81 = arith.constant 0 : i32
    %dma_wait3A_82 = tpu.memref_slice %arg6[%dma_wait3A_68, %dma_wait3A_80, %dma_wait3A_81] : memref<2x256x128xf32, #tpu.memory_space<vmem>> -> memref<1x256x128xf32, #tpu.memory_space<vmem>>
    %dma_wait3A_83 = tpu.memref_squeeze %dma_wait3A_82 : memref<1x256x128xf32, #tpu.memory_space<vmem>> -> memref<256x128xf32, #tpu.memory_space<vmem>>
    tpu.wait_dma2 semaphore(%dma_wait3A_77 : memref<!tpu.dma_semaphore, #tpu.memory_space<semaphore_mem>>) src(%dma_wait3A_83 : memref<256x128xf32, #tpu.memory_space<vmem>>) dst(%dma_wait3A_79 : memref<256x128xf32, #tpu.memory_space<hbm>>)
    return
  }
}

module attributes {stable_mosaic.version = 14 : i64} {
  func.func @body(%arg0: i32, %arg1: memref<2000x32xf32, #tpu.memory_space<vmem>>, %arg2: memref<2000x128xf32, #tpu.memory_space<vmem>>) attributes {dimension_semantics = [#tpu.dimension_semantics<arbitrary>], iteration_bounds = array<i64: 25>, scalar_prefetch = 0 : i64, scratch_operands = 0 : i64, tpu.core_type = #tpu.core_type<tc>, window_params = [{transform_indices = @transform_0, window_bounds = array<i64: 2000, 32>}, {transform_indices = @transform_1, window_bounds = array<i64: 2000, 128>}]} {
    %get3A = arith.constant 0 : index
    %get3A_0 = arith.constant 0 : index
    %get3A_1 = vector.load %arg1[%get3A, %get3A_0] : memref<2000x32xf32, #tpu.memory_space<vmem>>, vector<2000x32xf32>
    %broadcast_in_dim3A = arith.constant 0.000000e+00 : f32
    %broadcast_in_dim3A_2 = vector.broadcast %broadcast_in_dim3A : f32 to vector<2000x96xf32>
    %concatenate3A = tpu.concatenate %get3A_1, %broadcast_in_dim3A_2 in 1 : vector<2000x32xf32>, vector<2000x96xf32> -> vector<2000x128xf32>
    %swap3A = arith.constant 0 : index
    %swap3A_3 = arith.constant 0 : index
    %swap3A_4 = vector.load %arg2[%swap3A, %swap3A_3] : memref<2000x128xf32, #tpu.memory_space<vmem>>, vector<2000x128xf32>
    tpu.vector_store %arg2[%swap3A, %swap3A_3], %concatenate3A {strides = array<i32>} : memref<2000x128xf32, #tpu.memory_space<vmem>>, vector<2000x128xf32>,
    return
  }
  func.func @transform_0(%arg0: i32) -> (i32, i32) {
    %c0_i32 = arith.constant 0 : i32
    %c0_i32_0 = arith.constant 0 : i32
    return %arg0, %c0_i32 : i32, i32
  }
  func.func @transform_1(%arg0: i32) -> (i32, i32) {
    %c0_i32 = arith.constant 0 : i32
    %c0_i32_0 = arith.constant 0 : i32
    return %arg0, %c0_i32 : i32, i32
  }
}

module attributes {stable_mosaic.version = 14 : i64} {
  func.func @_lambda_(%arg0: i32, %arg1: memref<12800x128xf32, #tpu.memory_space<vmem>>, %arg2: memref<3200x128xf32, #tpu.memory_space<vmem>>, %arg3: memref<400x32xf32, #tpu.memory_space<vmem>>, %arg4: memref<128x128xf32, #tpu.memory_space<vmem>>, %arg5: memref<128x128xf32, #tpu.memory_space<vmem>>, %arg6: memref<128x128xf32, #tpu.memory_space<vmem>>, %arg7: memref<128x128xf32, #tpu.memory_space<vmem>>, %arg8: memref<128x128xf32, #tpu.memory_space<vmem>>, %arg9: memref<1x128xf32, #tpu.memory_space<vmem>>, %arg10: memref<128x128xf32, #tpu.memory_space<vmem>>, %arg11: memref<1x128xf32, #tpu.memory_space<vmem>>, %arg12: memref<128x128xf32, #tpu.memory_space<vmem>>, %arg13: memref<1x128xf32, #tpu.memory_space<vmem>>, %arg14: memref<32x128xf32, #tpu.memory_space<vmem>>, %arg15: memref<1x128xf32, #tpu.memory_space<vmem>>, %arg16: memref<128x32xf32, #tpu.memory_space<vmem>>, %arg17: memref<1x32xf32, #tpu.memory_space<vmem>>, %arg18: memref<400x32xf32, #tpu.memory_space<vmem>>) attributes {dimension_semantics = [#tpu.dimension_semantics<arbitrary>], iteration_bounds = array<i64: 125>, scalar_prefetch = 0 : i64, scratch_operands = 0 : i64, tpu.core_type = #tpu.core_type<tc>, window_params = [{transform_indices = @transform_0, window_bounds = array<i64: 12800, 128>}, {transform_indices = @transform_1, window_bounds = array<i64: 3200, 128>}, {transform_indices = @transform_2, window_bounds = array<i64: 400, 32>}, {pipeline_mode = #tpu.pipeline_mode<synchronous>, transform_indices = @transform_3, window_bounds = array<i64: 128, 128>}, {pipeline_mode = #tpu.pipeline_mode<synchronous>, transform_indices = @transform_4, window_bounds = array<i64: 128, 128>}, {pipeline_mode = #tpu.pipeline_mode<synchronous>, transform_indices = @transform_5, window_bounds = array<i64: 128, 128>}, {pipeline_mode = #tpu.pipeline_mode<synchronous>, transform_indices = @transform_6, window_bounds = array<i64: 128, 128>}, {pipeline_mode = #tpu.pipeline_mode<synchronous>, transform_indices = @transform_7, window_bounds = array<i64: 128, 128>}, {pipeline_mode = #tpu.pipeline_mode<synchronous>, transform_indices = @transform_8, window_bounds = array<i64: 1, 128>}, {pipeline_mode = #tpu.pipeline_mode<synchronous>, transform_indices = @transform_9, window_bounds = array<i64: 128, 128>}, {pipeline_mode = #tpu.pipeline_mode<synchronous>, transform_indices = @transform_10, window_bounds = array<i64: 1, 128>}, {pipeline_mode = #tpu.pipeline_mode<synchronous>, transform_indices = @transform_11, window_bounds = array<i64: 128, 128>}, {pipeline_mode = #tpu.pipeline_mode<synchronous>, transform_indices = @transform_12, window_bounds = array<i64: 1, 128>}, {pipeline_mode = #tpu.pipeline_mode<synchronous>, transform_indices = @transform_13, window_bounds = array<i64: 32, 128>}, {pipeline_mode = #tpu.pipeline_mode<synchronous>, transform_indices = @transform_14, window_bounds = array<i64: 1, 128>}, {pipeline_mode = #tpu.pipeline_mode<synchronous>, transform_indices = @transform_15, window_bounds = array<i64: 128, 32>}, {pipeline_mode = #tpu.pipeline_mode<synchronous>, transform_indices = @transform_16, window_bounds = array<i64: 1, 32>}, {transform_indices = @transform_17, window_bounds = array<i64: 400, 32>}]} {
    %get3A = arith.constant 0 : index
    %get3A_0 = arith.constant 0 : index
    %get3A_1 = vector.load %arg2[%get3A, %get3A_0] : memref<3200x128xf32, #tpu.memory_space<vmem>>, vector<3200x128xf32>
    %get3A_2 = arith.constant 0 : index
    %get3A_3 = arith.constant 0 : index
    %get3A_4 = vector.load %arg8[%get3A_2, %get3A_3] : memref<128x128xf32, #tpu.memory_space<vmem>>, vector<128x128xf32>
    %dot_general3A = arith.constant dense<0.000000e+00> : vector<3200x128xf32>
    %dot_general3A_5 = tpu.matmul %get3A_1, %get3A_4, %dot_general3A {dimension_numbers = #tpu.dot_dimension_numbers<[1], [0], [0], [1], [0, 0, 1, 1], [], []>, transpose_lhs_hint = false} : vector<3200x128xf32>, vector<128x128xf32>, vector<3200x128xf32> -> vector<3200x128xf32>
    %get3A_6 = arith.constant 0 : index
    %get3A_7 = arith.constant 0 : index
    %get3A_8 = vector.load %arg9[%get3A_6, %get3A_7] : memref<1x128xf32, #tpu.memory_space<vmem>>, vector<1x128xf32>
    %add3A = vector.broadcast %get3A_8 : vector<1x128xf32> to vector<3200x128xf32>
    %add3A_9 = arith.addf %dot_general3A_5, %add3A : vector<3200x128xf32>
    %get3A_10 = arith.constant 0 : index
    %get3A_11 = arith.constant 0 : index
    %get3A_12 = vector.load %arg1[%get3A_10, %get3A_11] : memref<12800x128xf32, #tpu.memory_space<vmem>>, vector<3200x128xf32>
    %get3A_13 = arith.constant 0 : index
    %get3A_14 = arith.constant 0 : index
    %get3A_15 = vector.load %arg4[%get3A_13, %get3A_14] : memref<128x128xf32, #tpu.memory_space<vmem>>, vector<128x128xf32>
    %dot_general3A_16 = arith.constant dense<0.000000e+00> : vector<3200x128xf32>
    %dot_general3A_17 = tpu.matmul %get3A_12, %get3A_15, %dot_general3A_16 {dimension_numbers = #tpu.dot_dimension_numbers<[1], [0], [0], [1], [0, 0, 1, 1], [], []>, transpose_lhs_hint = false} : vector<3200x128xf32>, vector<128x128xf32>, vector<3200x128xf32> -> vector<3200x128xf32>
    %add3A_18 = arith.addf %add3A_9, %dot_general3A_17 : vector<3200x128xf32>
    %get3A_19 = arith.constant 3200 : index
    %get3A_20 = arith.constant 0 : index
    %get3A_21 = vector.load %arg1[%get3A_19, %get3A_20] : memref<12800x128xf32, #tpu.memory_space<vmem>>, vector<3200x128xf32>
    %get3A_22 = arith.constant 0 : index
    %get3A_23 = arith.constant 0 : index
    %get3A_24 = vector.load %arg5[%get3A_22, %get3A_23] : memref<128x128xf32, #tpu.memory_space<vmem>>, vector<128x128xf32>
    %dot_general3A_25 = arith.constant dense<0.000000e+00> : vector<3200x128xf32>
    %dot_general3A_26 = tpu.matmul %get3A_21, %get3A_24, %dot_general3A_25 {dimension_numbers = #tpu.dot_dimension_numbers<[1], [0], [0], [1], [0, 0, 1, 1], [], []>, transpose_lhs_hint = false} : vector<3200x128xf32>, vector<128x128xf32>, vector<3200x128xf32> -> vector<3200x128xf32>
    %add3A_27 = arith.addf %add3A_18, %dot_general3A_26 : vector<3200x128xf32>
    %get3A_28 = arith.constant 6400 : index
    %get3A_29 = arith.constant 0 : index
    %get3A_30 = vector.load %arg1[%get3A_28, %get3A_29] : memref<12800x128xf32, #tpu.memory_space<vmem>>, vector<3200x128xf32>
    %get3A_31 = arith.constant 0 : index
    %get3A_32 = arith.constant 0 : index
    %get3A_33 = vector.load %arg6[%get3A_31, %get3A_32] : memref<128x128xf32, #tpu.memory_space<vmem>>, vector<128x128xf32>
    %dot_general3A_34 = arith.constant dense<0.000000e+00> : vector<3200x128xf32>
    %dot_general3A_35 = tpu.matmul %get3A_30, %get3A_33, %dot_general3A_34 {dimension_numbers = #tpu.dot_dimension_numbers<[1], [0], [0], [1], [0, 0, 1, 1], [], []>, transpose_lhs_hint = false} : vector<3200x128xf32>, vector<128x128xf32>, vector<3200x128xf32> -> vector<3200x128xf32>
    %add3A_36 = arith.addf %add3A_27, %dot_general3A_35 : vector<3200x128xf32>
    %get3A_37 = arith.constant 9600 : index
    %get3A_38 = arith.constant 0 : index
    %get3A_39 = vector.load %arg1[%get3A_37, %get3A_38] : memref<12800x128xf32, #tpu.memory_space<vmem>>, vector<3200x128xf32>
    %get3A_40 = arith.constant 0 : index
    %get3A_41 = arith.constant 0 : index
    %get3A_42 = vector.load %arg7[%get3A_40, %get3A_41] : memref<128x128xf32, #tpu.memory_space<vmem>>, vector<128x128xf32>
    %dot_general3A_43 = arith.constant dense<0.000000e+00> : vector<3200x128xf32>
    %dot_general3A_44 = tpu.matmul %get3A_39, %get3A_42, %dot_general3A_43 {dimension_numbers = #tpu.dot_dimension_numbers<[1], [0], [0], [1], [0, 0, 1, 1], [], []>, transpose_lhs_hint = false} : vector<3200x128xf32>, vector<128x128xf32>, vector<3200x128xf32> -> vector<3200x128xf32>
    %add3A_45 = arith.addf %add3A_36, %dot_general3A_44 : vector<3200x128xf32>
    %mul3A = arith.constant 5.000000e-01 : f32
    %mul3A_46 = vector.broadcast %mul3A : f32 to vector<3200x128xf32>
    %mul3A_47 = arith.mulf %mul3A_46, %add3A_45 : vector<3200x128xf32>
    %mul3A_48 = arith.constant 0.707106769 : f32
    %mul3A_49 = vector.broadcast %mul3A_48 : f32 to vector<3200x128xf32>
    %mul3A_50 = arith.mulf %add3A_45, %mul3A_49 : vector<3200x128xf32>
    %erf3A = math.erf %mul3A_50 : vector<3200x128xf32>
    %add3A_51 = arith.constant 1.000000e+00 : f32
    %add3A_52 = vector.broadcast %add3A_51 : f32 to vector<3200x128xf32>
    %add3A_53 = arith.addf %add3A_52, %erf3A : vector<3200x128xf32>
    %mul3A_54 = arith.mulf %mul3A_47, %add3A_53 : vector<3200x128xf32>
    %get3A_55 = arith.constant 0 : index
    %get3A_56 = arith.constant 0 : index
    %get3A_57 = vector.load %arg10[%get3A_55, %get3A_56] : memref<128x128xf32, #tpu.memory_space<vmem>>, vector<128x128xf32>
    %dot_general3A_58 = arith.constant dense<0.000000e+00> : vector<3200x128xf32>
    %dot_general3A_59 = tpu.matmul %mul3A_54, %get3A_57, %dot_general3A_58 {dimension_numbers = #tpu.dot_dimension_numbers<[1], [0], [0], [1], [0, 0, 1, 1], [], []>, transpose_lhs_hint = false} : vector<3200x128xf32>, vector<128x128xf32>, vector<3200x128xf32> -> vector<3200x128xf32>
    %get3A_60 = arith.constant 0 : index
    %get3A_61 = arith.constant 0 : index
    %get3A_62 = vector.load %arg11[%get3A_60, %get3A_61] : memref<1x128xf32, #tpu.memory_space<vmem>>, vector<1x128xf32>
    %add3A_63 = vector.broadcast %get3A_62 : vector<1x128xf32> to vector<3200x128xf32>
    %add3A_64 = arith.addf %dot_general3A_59, %add3A_63 : vector<3200x128xf32>
    %mul3A_65 = arith.constant 5.000000e-01 : f32
    %mul3A_66 = vector.broadcast %mul3A_65 : f32 to vector<3200x128xf32>
    %mul3A_67 = arith.mulf %mul3A_66, %add3A_64 : vector<3200x128xf32>
    %mul3A_68 = arith.constant 0.707106769 : f32
    %mul3A_69 = vector.broadcast %mul3A_68 : f32 to vector<3200x128xf32>
    %mul3A_70 = arith.mulf %add3A_64, %mul3A_69 : vector<3200x128xf32>
    %erf3A_71 = math.erf %mul3A_70 : vector<3200x128xf32>
    %add3A_72 = arith.constant 1.000000e+00 : f32
    %add3A_73 = vector.broadcast %add3A_72 : f32 to vector<3200x128xf32>
    %add3A_74 = arith.addf %add3A_73, %erf3A_71 : vector<3200x128xf32>
    %mul3A_75 = arith.mulf %mul3A_67, %add3A_74 : vector<3200x128xf32>
    %get3A_76 = arith.constant 0 : index
    %get3A_77 = arith.constant 0 : index
    %get3A_78 = vector.load %arg12[%get3A_76, %get3A_77] : memref<128x128xf32, #tpu.memory_space<vmem>>, vector<128x128xf32>
    %dot_general3A_79 = arith.constant dense<0.000000e+00> : vector<3200x128xf32>
    %dot_general3A_80 = tpu.matmul %mul3A_75, %get3A_78, %dot_general3A_79 {dimension_numbers = #tpu.dot_dimension_numbers<[1], [0], [0], [1], [0, 0, 1, 1], [], []>, transpose_lhs_hint = false} : vector<3200x128xf32>, vector<128x128xf32>, vector<3200x128xf32> -> vector<3200x128xf32>
    %get3A_81 = arith.constant 0 : index
    %get3A_82 = arith.constant 0 : index
    %get3A_83 = vector.load %arg13[%get3A_81, %get3A_82] : memref<1x128xf32, #tpu.memory_space<vmem>>, vector<1x128xf32>
    %add3A_84 = vector.broadcast %get3A_83 : vector<1x128xf32> to vector<3200x128xf32>
    %add3A_85 = arith.addf %dot_general3A_80, %add3A_84 : vector<3200x128xf32>
    %reshape3A = vector.shape_cast %add3A_85 : vector<3200x128xf32> to vector<400x8x128xf32>
    %reduce_sum3A = arith.constant dense<0.000000e+00> : vector<400x128xf32>
    %reduce_sum3A_86 = vector.multi_reduction <add>, %reshape3A, %reduce_sum3A [1] : vector<400x8x128xf32> to vector<400x128xf32>
    %slice3A = vector.extract_strided_slice %reduce_sum3A_86 {offsets = [0, 0], sizes = [400, 32], strides = [1, 1]} : vector<400x128xf32> to vector<400x32xf32>
    %slice3A_87 = vector.extract_strided_slice %reduce_sum3A_86 {offsets = [0, 32], sizes = [400, 32], strides = [1, 1]} : vector<400x128xf32> to vector<400x32xf32>
    %add3A_88 = arith.addf %slice3A, %slice3A_87 : vector<400x32xf32>
    %slice3A_89 = vector.extract_strided_slice %reduce_sum3A_86 {offsets = [0, 64], sizes = [400, 32], strides = [1, 1]} : vector<400x128xf32> to vector<400x32xf32>
    %add3A_90 = arith.addf %add3A_88, %slice3A_89 : vector<400x32xf32>
    %slice3A_91 = vector.extract_strided_slice %reduce_sum3A_86 {offsets = [0, 96], sizes = [400, 32], strides = [1, 1]} : vector<400x128xf32> to vector<400x32xf32>
    %add3A_92 = arith.addf %add3A_90, %slice3A_91 : vector<400x32xf32>
    %mul3A_93 = arith.constant 0.0333333351 : f32
    %mul3A_94 = vector.broadcast %mul3A_93 : f32 to vector<400x32xf32>
    %mul3A_95 = arith.mulf %add3A_92, %mul3A_94 : vector<400x32xf32>
    %get3A_96 = arith.constant 0 : index
    %get3A_97 = arith.constant 0 : index
    %get3A_98 = vector.load %arg3[%get3A_96, %get3A_97] : memref<400x32xf32, #tpu.memory_space<vmem>>, vector<400x32xf32>
    %add3A_99 = arith.addf %get3A_98, %mul3A_95 : vector<400x32xf32>
    %get3A_100 = arith.constant 0 : index
    %get3A_101 = arith.constant 0 : index
    %get3A_102 = vector.load %arg14[%get3A_100, %get3A_101] : memref<32x128xf32, #tpu.memory_space<vmem>>, vector<32x128xf32>
    %dot_general3A_103 = arith.constant dense<0.000000e+00> : vector<400x128xf32>
    %dot_general3A_104 = tpu.matmul %add3A_99, %get3A_102, %dot_general3A_103 {dimension_numbers = #tpu.dot_dimension_numbers<[1], [0], [0], [1], [0, 0, 1, 1], [], []>, transpose_lhs_hint = false} : vector<400x32xf32>, vector<32x128xf32>, vector<400x128xf32> -> vector<400x128xf32>
    %get3A_105 = arith.constant 0 : index
    %get3A_106 = arith.constant 0 : index
    %get3A_107 = vector.load %arg15[%get3A_105, %get3A_106] : memref<1x128xf32, #tpu.memory_space<vmem>>, vector<1x128xf32>
    %add3A_108 = vector.broadcast %get3A_107 : vector<1x128xf32> to vector<400x128xf32>
    %add3A_109 = arith.addf %dot_general3A_104, %add3A_108 : vector<400x128xf32>
    %mul3A_110 = arith.constant 5.000000e-01 : f32
    %mul3A_111 = vector.broadcast %mul3A_110 : f32 to vector<400x128xf32>
    %mul3A_112 = arith.mulf %mul3A_111, %add3A_109 : vector<400x128xf32>
    %mul3A_113 = arith.constant 0.707106769 : f32
    %mul3A_114 = vector.broadcast %mul3A_113 : f32 to vector<400x128xf32>
    %mul3A_115 = arith.mulf %add3A_109, %mul3A_114 : vector<400x128xf32>
    %erf3A_116 = math.erf %mul3A_115 : vector<400x128xf32>
    %add3A_117 = arith.constant 1.000000e+00 : f32
    %add3A_118 = vector.broadcast %add3A_117 : f32 to vector<400x128xf32>
    %add3A_119 = arith.addf %add3A_118, %erf3A_116 : vector<400x128xf32>
    %mul3A_120 = arith.mulf %mul3A_112, %add3A_119 : vector<400x128xf32>
    %get3A_121 = arith.constant 0 : index
    %get3A_122 = arith.constant 0 : index
    %get3A_123 = vector.load %arg16[%get3A_121, %get3A_122] : memref<128x32xf32, #tpu.memory_space<vmem>>, vector<128x32xf32>
    %dot_general3A_124 = arith.constant dense<0.000000e+00> : vector<400x32xf32>
    %dot_general3A_125 = tpu.matmul %mul3A_120, %get3A_123, %dot_general3A_124 {dimension_numbers = #tpu.dot_dimension_numbers<[1], [0], [0], [1], [0, 0, 1, 1], [], []>, transpose_lhs_hint = false} : vector<400x128xf32>, vector<128x32xf32>, vector<400x32xf32> -> vector<400x32xf32>
    %get3A_126 = arith.constant 0 : index
    %get3A_127 = arith.constant 0 : index
    %get3A_128 = vector.load %arg17[%get3A_126, %get3A_127] : memref<1x32xf32, #tpu.memory_space<vmem>>, vector<1x32xf32>
    %add3A_129 = vector.broadcast %get3A_128 : vector<1x32xf32> to vector<400x32xf32>
    %add3A_130 = arith.addf %dot_general3A_125, %add3A_129 : vector<400x32xf32>
    %add3A_131 = arith.addf %add3A_99, %add3A_130 : vector<400x32xf32>
    %swap3A = arith.constant 0 : index
    %swap3A_132 = arith.constant 0 : index
    %swap3A_133 = vector.load %arg18[%swap3A, %swap3A_132] : memref<400x32xf32, #tpu.memory_space<vmem>>, vector<400x32xf32>
    tpu.vector_store %arg18[%swap3A, %swap3A_132], %add3A_131 {strides = array<i32>} : memref<400x32xf32, #tpu.memory_space<vmem>>, vector<400x32xf32>,
    return
  }
  func.func @transform_0(%arg0: i32) -> (i32, i32) {
    %c0_i32 = arith.constant 0 : i32
    %c0_i32_0 = arith.constant 0 : i32
    return %arg0, %c0_i32 : i32, i32
  }
  func.func @transform_1(%arg0: i32) -> (i32, i32) {
    %c0_i32 = arith.constant 0 : i32
    %c0_i32_0 = arith.constant 0 : i32
    return %arg0, %c0_i32 : i32, i32
  }
  func.func @transform_2(%arg0: i32) -> (i32, i32) {
    %c0_i32 = arith.constant 0 : i32
    %c0_i32_0 = arith.constant 0 : i32
    return %arg0, %c0_i32 : i32, i32
  }
  func.func @transform_3(%arg0: i32) -> (i32, i32) {
    %c0_i32 = arith.constant 0 : i32
    %c0_i32_0 = arith.constant 0 : i32
    %c0_i32_1 = arith.constant 0 : i32
    return %c0_i32, %c0_i32_0 : i32, i32
  }
  func.func @transform_4(%arg0: i32) -> (i32, i32) {
    %c0_i32 = arith.constant 0 : i32
    %c0_i32_0 = arith.constant 0 : i32
    %c0_i32_1 = arith.constant 0 : i32
    return %c0_i32, %c0_i32_0 : i32, i32
  }
  func.func @transform_5(%arg0: i32) -> (i32, i32) {
    %c0_i32 = arith.constant 0 : i32
    %c0_i32_0 = arith.constant 0 : i32
    %c0_i32_1 = arith.constant 0 : i32
    return %c0_i32, %c0_i32_0 : i32, i32
  }
  func.func @transform_6(%arg0: i32) -> (i32, i32) {
    %c0_i32 = arith.constant 0 : i32
    %c0_i32_0 = arith.constant 0 : i32
    %c0_i32_1 = arith.constant 0 : i32
    return %c0_i32, %c0_i32_0 : i32, i32
  }
  func.func @transform_7(%arg0: i32) -> (i32, i32) {
    %c0_i32 = arith.constant 0 : i32
    %c0_i32_0 = arith.constant 0 : i32
    %c0_i32_1 = arith.constant 0 : i32
    return %c0_i32, %c0_i32_0 : i32, i32
  }
  func.func @transform_8(%arg0: i32) -> (i32, i32) {
    %c0_i32 = arith.constant 0 : i32
    %c0_i32_0 = arith.constant 0 : i32
    %c0_i32_1 = arith.constant 0 : i32
    return %c0_i32, %c0_i32_0 : i32, i32
  }
  func.func @transform_9(%arg0: i32) -> (i32, i32) {
    %c0_i32 = arith.constant 0 : i32
    %c0_i32_0 = arith.constant 0 : i32
    %c0_i32_1 = arith.constant 0 : i32
    return %c0_i32, %c0_i32_0 : i32, i32
  }
  func.func @transform_10(%arg0: i32) -> (i32, i32) {
    %c0_i32 = arith.constant 0 : i32
    %c0_i32_0 = arith.constant 0 : i32
    %c0_i32_1 = arith.constant 0 : i32
    return %c0_i32, %c0_i32_0 : i32, i32
  }
  func.func @transform_11(%arg0: i32) -> (i32, i32) {
    %c0_i32 = arith.constant 0 : i32
    %c0_i32_0 = arith.constant 0 : i32
    %c0_i32_1 = arith.constant 0 : i32
    return %c0_i32, %c0_i32_0 : i32, i32
  }
  func.func @transform_12(%arg0: i32) -> (i32, i32) {
    %c0_i32 = arith.constant 0 : i32
    %c0_i32_0 = arith.constant 0 : i32
    %c0_i32_1 = arith.constant 0 : i32
    return %c0_i32, %c0_i32_0 : i32, i32
  }
  func.func @transform_13(%arg0: i32) -> (i32, i32) {
    %c0_i32 = arith.constant 0 : i32
    %c0_i32_0 = arith.constant 0 : i32
    %c0_i32_1 = arith.constant 0 : i32
    return %c0_i32, %c0_i32_0 : i32, i32
  }
  func.func @transform_14(%arg0: i32) -> (i32, i32) {
    %c0_i32 = arith.constant 0 : i32
    %c0_i32_0 = arith.constant 0 : i32
    %c0_i32_1 = arith.constant 0 : i32
    return %c0_i32, %c0_i32_0 : i32, i32
  }
  func.func @transform_15(%arg0: i32) -> (i32, i32) {
    %c0_i32 = arith.constant 0 : i32
    %c0_i32_0 = arith.constant 0 : i32
    %c0_i32_1 = arith.constant 0 : i32
    return %c0_i32, %c0_i32_0 : i32, i32
  }
  func.func @transform_16(%arg0: i32) -> (i32, i32) {
    %c0_i32 = arith.constant 0 : i32
    %c0_i32_0 = arith.constant 0 : i32
    %c0_i32_1 = arith.constant 0 : i32
    return %c0_i32, %c0_i32_0 : i32, i32
  }
  func.func @transform_17(%arg0: i32) -> (i32, i32) {
    %c0_i32 = arith.constant 0 : i32
    %c0_i32_0 = arith.constant 0 : i32
    return %arg0, %c0_i32 : i32, i32
  }
}

</mosaic_0001>

<sc_bundles>
// kernel: kernel.5.cloned.1.call-start
scs
__scs_entry_jumppad:
0x0: {  	(pc) =	sbr.rel $0x88, $3  }
0x1: {  	(tag) =	ssettag $0x0;
	lr =	simm.s32 $0x1  }
0x2: {  	[smem:$0x3F94] =	sst lr;
	_ =	strace $0xD0000000  }
0x3: {  	_ = 	snop  }
0x4: {  	_ = 	snop  }
0x5: {  	_ = 	snop  }
0x6: {  	_ = 	snop  }
0x7: {  	_ = 	snop  }
__scs_overlays_trampoline_lowered:
0x8: {  	[smem:$0x3FA3] =	sst s0  }
0x9: {  	[smem:$0x3FA4] =	sst s1  }
0xa: {  	[smem:$0x3FA5] =	sst s2  }
0xb: {  	[smem:$0x3FA6] =	sst s3  }
0xc: {  	[smem:$0x3FA7] =	sst s4  }
0xd: {  	[smem:$0x3FA8] =	sst s5  }
0xe: {  	[smem:$0x3FA9] =	sst s6  }
0xf: {  	[smem:$0x3FAA] =	sst s7  }
0x10: {  	[smem:$0x3FAB] =	sst s8  }
0x11: {  	[smem:$0x3FAC] =	sst s9;
	s0 =	simm.s32 @!p0 $0x0  }
0x12: {  	s1 =	sld [smem:$0x3F92];
	s0 =	simm.s32 @p0 $0x1  }
0x13: {  	[smem:$0x3FAD] =	sst s0;
	s0 =	simm.s32 @!p1 $0x0  }
0x14: {  	s2 =	sld [smem:$0x3F91];
	s0 =	simm.s32 @p1 $0x1  }
0x15: {  	[smem:$0x3FAE] =	sst s0;
	s0 =	simm.s32 @!p2 $0x0  }
0x16: {  	s3 =	sld [smem:$0x3FDB];
	s0 =	simm.s32 @p2 $0x1  }
0x17: {  	s4 =	simm.s32 $0x1BF5;
	[smem:$0x3FB0] =	sst s0  }
0x18: {  	s0 =	sld [smem:$0x3F93];
	_ =	swait.ge [sflag:s4], $0x0  }
0x19: {  	s7 =	sld [smem:$0x3F94]  }
0x1a: {  	s8 =	sadd.s32 $0xFFFFE003, lr  }
0x1b: {  	s9 =	sadd.s32 $0xFFFFFEF7, lr;
	s5 =	simm.s32 $0xFFFFFFFF;
	p2 =	slt.u32 s8, $0xFFFFF086  }
0x1c: {  	p1 =	slt.u32 s9, $0xF7A;
	s5 =	simm.s32 @!p2 $0x0  }
0x1d: {  	s5 =	simm.s32 @p1 $0x1;
	p0 =	seq.s32 s7, s2  }
0x1e: {  	s7 =	smul.u32 @!p0 $0xF7A, s2;
	p2 =	seq.s32 @!p0 s5, $0x0  }
0x1f: {  	s9 =	smul.u32 $0xF7A, s1;
	s8 =	simm.s32 @!p0 $0x1BF5;
	p2 =	por !p2, p0  }
0x20: {  	[sflag:s8] =	ssyncset.s32 @!p0 $0xFFFFF086;
	s6 =	sadd.s32 @!p0 s3, s7;
	s7 =	simm.s32 @!p0 $0x108  }
0x21: {  	s3 =	sadd.s32 s3, s9;
	s6 =	sadd.s32 @!p0 $0x88, s6;
	s7 =	simm.s32 @p2 $0x1082  }
0x22: {  	[simem:s7], [sflag:s8] =	dma.local @!p0 [hbm:s6], $0xF7A  }
0x23: {  	s9 =	sor.u32 $0xD0000000, s2;
	s6 =	simm.s32 $0x108;
	_ =	swait.ge @!p0 [sflag:s8], $0x0  }
0x24: {  	s3 =	sadd.s32 $0x88, s3;
	s6 =	simm.s32 @!p1 $0x1082;
	[sflag:s4] =	ssyncset.s32 $0xFFFFF086  }
0x25: {  	[simem:s6], [sflag:s4] =	dma.local [hbm:s3], $0xF7A  }
0x26: {  	[smem:$0x3F94] =	sst s1;
	(tag) =	ssettag s2;
	_ =	strace s9  }
0x27: {  	s1 =	sld [smem:$0x3FA4]  }
0x28: {  	s2 =	sld [smem:$0x3FA5]  }
0x29: {  	s4 =	sld [smem:$0x3FA7]  }
0x2a: {  	p0 =	seq.s32 s5, $0x0;
	s5 =	sld [smem:$0x3FA8]  }
0x2b: {  	s6 =	sld [smem:$0x3FA9]  }
0x2c: {  	s7 =	sld [smem:$0x3FAA]  }
0x2d: {  	s3 =	simm.s32 $0x108;
	s8 =	sld [smem:$0x3FAB]  }
0x2e: {  	s3 =	simm.s32 @!p0 $0x1082;
	s9 =	sld [smem:$0x3FAC]  }
0x2f: {  	lr =	sadd.s32 s0, s3;
	s0 =	sld [smem:$0x3FA3]  }
0x30: {  	s3 =	sld [smem:$0x3FA6]  }
0x31: {  	[smem:$0x3FAF] =	sst s10  }
0x32: {  	s10 =	sld [smem:$0x3FAD];
	_ =	sdelay $0x3  }
0x33: {  	p0 =	seq.s32 s10, $0x1;
	s10 =	sld [smem:$0x3FAF];
	_ =	sdelay $0x3  }
0x34: {  	[smem:$0x3FAF] =	sst s10  }
0x35: {  	s10 =	sld [smem:$0x3FAE];
	_ =	sdelay $0x3  }
0x36: {  	p1 =	seq.s32 s10, $0x1;
	s10 =	sld [smem:$0x3FAF];
	_ =	sdelay $0x3  }
0x37: {  	[smem:$0x3FAF] =	sst s10  }
0x38: {  	s10 =	sld [smem:$0x3FB0]  }
0x39: {  	_ = 	snop;
	(pc) =	sbr.ind lr, $3  }
0x3a: {  	_ = 	snop  }
0x3b: {  	_ = 	snop  }
0x3c: {  	p2 =	seq.s32 s10, $0x1;
	s10 =	sld [smem:$0x3FAF]  }
0x3d: {  	_ =	shalt  }
0x3e: {  	_ =	shalt  }
0x3f: {  	_ =	shalt  }
0x40: {  	_ =	shalt  }
0x41: {  	_ =	shalt  }
0x42: {  	_ =	shalt  }
0x43: {  	_ =	shalt  }
0x44: {  	_ =	shalt  }
0x45: {  	_ =	shalt  }
0x46: {  	_ =	shalt  }
0x47: {  	_ =	shalt  }
0x48: {  	_ =	shalt  }
0x49: {  	_ =	shalt  }
0x4a: {  	_ =	shalt  }
0x4b: {  	_ =	shalt  }
0x4c: {  	_ =	shalt  }
0x4d: {  	_ =	shalt  }
0x4e: {  	_ =	shalt  }
0x4f: {  	_ =	shalt  }
0x50: {  	_ =	shalt  }
0x51: {  	_ =	shalt  }
0x52: {  	_ =	shalt  }
0x53: {  	_ =	shalt  }
0x54: {  	_ =	shalt  }
0x55: {  	_ =	shalt  }
0x56: {  	_ =	shalt  }
0x57: {  	_ =	shalt  }
0x58: {  	_ =	shalt  }
0x59: {  	_ =	shalt  }
0x5a: {  	_ =	shalt  }
0x5b: {  	_ =	shalt  }
0x5c: {  	_ =	shalt  }
0x5d: {  	_ =	shalt  }
0x5e: {  	_ =	shalt  }
0x5f: {  	_ =	shalt  }
0x60: {  	_ =	shalt  }
0x61: {  	_ =	shalt  }
0x62: {  	_ =	shalt  }
0x63: {  	_ =	shalt  }
0x64: {  	_ =	shalt  }
0x65: {  	_ =	shalt  }
0x66: {  	_ =	shalt  }
0x67: {  	_ =	shalt  }
0x68: {  	_ =	shalt  }
0x69: {  	_ =	shalt  }
0x6a: {  	_ =	shalt  }
0x6b: {  	_ =	shalt  }
0x6c: {  	_ =	shalt  }
0x6d: {  	_ =	shalt  }
0x6e: {  	_ =	shalt  }
0x6f: {  	_ =	shalt  }
0x70: {  	_ =	shalt  }
0x71: {  	_ =	shalt  }
0x72: {  	_ =	shalt  }
0x73: {  	_ =	shalt  }
0x74: {  	_ =	shalt  }
0x75: {  	_ =	shalt  }
0x76: {  	_ =	shalt  }
0x77: {  	_ =	shalt  }
0x78: {  	_ =	shalt  }
0x79: {  	_ =	shalt  }
0x7a: {  	_ =	shalt  }
0x7b: {  	_ =	shalt  }
0x7c: {  	_ =	shalt  }
0x7d: {  	_ =	shalt  }
0x7e: {  	_ =	shalt  }
0x7f: {  	_ =	shalt  }
0x80: {  	_ =	shalt  }
0x81: {  	_ =	shalt  }
0x82: {  	_ =	shalt  }
0x83: {  	_ =	shalt  }
0x84: {  	_ =	shalt  }
0x85: {  	_ =	shalt  }
0x86: {  	_ =	shalt  }
0x87: {  	_ =	shalt  }
.Lfunc_end0:
.L_simem_size_0:
called_computation_lowered:
.L_overlay_start_0:
0x88: {  	s2 =	sld [smem:$0x3FD9]  }
0x89: {  	s3 =	sld [smem:$0x3FFE];
	_ =	sdelay $0x1  }
0x8a: {  	s1 =	srdreg.scid  }
0x8b: {  	s0 =	sand.u32 $0x1, s1  }
0x8c: {  	s16 =	sshll.u32 s0, $0xA;
	s2 =	sadd.s32 s3, s2  }
0x8d: {  	s2 =	sadd.s32 s2, s16  }
0x8e: {  	[smem:$0x3FBB] =	sst s2  }
0x8f: {  	_ = 	snop  }
0x90: {  	(tm) =	ssettm $0x1  }
0x91: {  	s17 =	sld [smem:$0x3FFB];
	_ =	sdelay $0x3  }
0x92: {  	_ =	strace s17  }
0x93: {  	s2 =	sld [smem:$0x3FFC];
	_ =	sdelay $0x3  }
0x94: {  	_ =	strace s2  }
0x95: {  	s2 =	sld [smem:$0x3FFD];
	_ =	sdelay $0x3  }
0x96: {  	_ =	strace s2  }
0x97: {  	_ =	strace $0x8FFFFFFF  }
0x98: {  	s18 =	sld [smem:$0x3FDB];
	_ =	sdelay $0x1  }
0x99: {  	s19 =	simm.s32 $_scs_section_size  }
0x9a: {  	s4 =	simm.s32 $_size__tile_overlayer_lowered;
	s5 =	simm.s32 $_tile_overlayer_lowered  }
0x9b: {  	s22 =	simm.s32 $0x1BFF;
	s21 =	sshll.u32 s5, $0x1;
	s2 =	sadd.s32 s19, s18  }
0x9c: {  	s6 =	simm.s32 $0x0;
	s20 =	sshll.u32 s4, $0x1;
	s4 =	sadd.s32 s21, s2  }
0x9d: {  	[timem:s6], [sflag:s22] =	dma.local [hbm:s4], s20  }
0x9e: {  	_ =	swait.ge [sflag:s22], s20  }
0x9f: {  	s3 =	ssub.s32 $0x0, s20;
	[sflag:s22] =	ssyncset.done $0x0  }
0xa0: {  	[sflag:s22] =	ssyncadd.s32 s3;
	_ =	sdelay $0x1  }
0xa1: {  	s23 =	simm.s32 $0x1B8B  }
0xa2: {  	_ =	swait.ge [sflag:s23], $0x1  }
0xa3: {  	[sflag:s23] =	ssyncset.done $0x0  }
0xa4: {  	s25 =	simm.s32 $0x1B8E;
	s24 =	sld [smem:$0x3FFE];
	[sflag:s23] =	ssyncadd.s32 $0xFFFFFFFF  }
0xa5: {  	s26 =	simm.s32 $execute0_lowered;
	[smem:$0x3FD2] =	sst s25  }
0xa6: {  	s4 =	sshll.u32 s26, $0x1;
	_ =	strace $0x80000046;
	[dreg:$0x1] =	wrdreg $0xFFFFFFFF  }
0xa7: {  	s28 =	simm.s32 $_size_execute0_lowered;
	s2 =	sadd.s32 s2, s4;
	[dreg:$0x0] =	wrdreg $0x0  }
0xa8: {  	s4 =	sshll.u32 s28, $0x1;
	[dreg:$0x2] =	wrdreg s2  }
0xa9: {  	[dreg:$0x3] =	wrdreg s4  }
0xaa: {  	[dreg:$0x4] =	wrdreg $0xC0  }
0xab: {  	_ =	task [dreg:s6], $0x5FFFF  }
0xac: {  	[dreg:$0x1] =	wrdreg $0xFFFFFFFF  }
0xad: {  	[dreg:$0x0] =	wrdreg $0x60  }
0xae: {  	[dreg:$0x2] =	wrdreg s24  }
0xaf: {  	[dreg:$0x3] =	wrdreg $0x9  }
0xb0: {  	_ =	task.clear_ibuf [dreg:s6], $0x4FFFF;
	_ =	strace $0x90000046  }
0xb1: {  	s29 =	simm.s32 $0x9;
	_ =	strace $0x80000048  }
0xb2: {  	_ =	swait.ge [sflag:s29], $0x1  }
0xb3: {  	[sflag:s29] =	ssyncadd.s32 $0xFFFFFFFF  }
0xb4: {  	_ =	strace $0x90000048  }
0xb5: {  	_ =	sfence  }
0xb6: {  	s30 =	sld [smem:$0x0];
	_ =	sdelay $0x2  }
0xb7: {  	s31 =	sshll.u32 s1, $0xD;
	s1 =	sshrl.u32 s1, $0x2  }
0xb8: {  	s3 =	sand.u32 $0x4000, s31;
	s1 =	sadd.s32 s1, s30  }
0xb9: {  	s0 =	sor.u32 s3, s0;
	s1 =	sshll.u32 s1, $0x11  }
0xba: {  	s0 =	sor.u32 s1, s0  }
0xbb: {  	s0 =	sadd.s32 $0x8F2B, s0  }
0xbc: {  	[sflag:s0] =	ssyncadd.remote.s32 $0x1  }
0xbd: {  	_ =	sfence.sel $0xFFFF  }
0xbe: {  	[dreg:$0x0] =	wrdreg $0xFFFFFFFF;
	(pc) =	sbr.abs _section_cstart, $3  }
0xbf: {  	[dreg:$0x1] =	wrdreg $0xFFFFFFFF  }
0xc0: {  	_ =	task.clear_ibuf [dreg:s6], $0x2FFFF;
	_ =	strace $0x9FFFFFFF  }
0xc1: {  	(tm) =	ssettm $0x7FFFFFFF  }
tec
execute0_lowered:
.L_overlay_start_1:
0x0: {  	(tag) =	ssettag $0x1  }
0x1: {  	s4 =	rddreg [dreg:$0x0]  }
0x2: {  	s0 =	rddreg [dreg:$0x1];
	s2 =	simm.s32 $0x0  }
0x3: {  	s1 =	stileid.u32;
	s3 =	srdreg.scid;
	s13 =	simm.s32 $0x180  }
0x4: {  	s14 =	simm.s32 $0x1;
	s15 =	simm.s32 $0x200;
	s16 =	simm.s32 $0x4200  }
0x5: {  	s17 =	simm.s32 $0x3;
	s18 =	simm.s32 $0x2;
	s19 =	simm.s32 $0x6  }
0x6: {  	s20 =	simm.s32 $0x8200;
	s21 =	simm.s32 $0xC200;
	s22 =	simm.s32 $0x4  }
0x7: {  	s23 =	simm.s32 $0x5;
	s24 =	simm.s32 $0x0;
	s5 =	smul.u32 $0x188000, s1  }
0x8: {  	[smem:$0x7FF] =	sst s2;
	s6 =	sand.u32 $0x1, s3;
	s9 =	smul.u32 $0x3100, s1  }
0x9: {  	s28 =	sshll.u32 s1, $0x1;
	s3 =	sadd.s32 $0xC6C00, s4;
	s12 =	smul.u32 $0x1880, s6  }
0xa: {  	s8 =	sadd.s32 $0x18A200, s4;
	s7 =	sor.u32 s6, s28;
	s31 =	smul.u32 $0xC4000, s6  }
0xb: {  	_ =	strace $0x80000047;
	s29 =	ssub.s32 $0x2, s6;
	s7 =	smul.u32 $0x1880, s7  }
.Ltmp0:
0xc: {  	s11 =	sshrl.u32 s29, $0x1;
	s9 =	sadd.s32 s9, s8;
	(pc) =	sbr.rel .LBB2_1-.Ltmp0, $4  }
0xd: {  	s10 =	sadd.s32 s5, s4;
	s30 =	ssub.s32 s29, s11;
	s9 =	sadd.s32 s12, s9  }
0xe: {  	s10 =	sadd.s32 s31, s10;
	s11 =	simm.s32 $0x100;
	s12 =	simm.s32 $0x80  }
0xf: {  	s4 =	sadd.s32 s8, s7;
	s6 =	smax.u32 s30, $0x1;
	s10 =	sadd.s32 $0x1BB200, s10  }
0x10: {  	s5 =	sadd.s32 $0x20, s4;
	s7 =	sadd.s32 $0x10, s4;
	s8 =	sadd.s32 $0x30, s4  }
.LBB2_8:
0x11: {  	s24 =	sadd.s32 $0x1, s24  }
0x12: {  	_ =	swait.ge [sflag:s23], $0x8000;
	p0 =	sne.s32 s24, s6  }
.Ltmp1:
0x13: {  	[sflag:s23] =	ssyncset.done $0x0;
	(pc) =	sbr.rel @!p0 .LBB2_9-.Ltmp1, $4  }
0x14: {  	[sflag:s23] =	ssyncadd.s32 $0xFFFF8000  }
0x15: {  	_ =	swait.ge [sflag:s19], $0x8000  }
0x16: {  	[sflag:s19] =	ssyncset.done $0x0  }
0x17: {  	[sflag:s19] =	ssyncadd.s32 $0xFFFF8000  }
.LBB2_1:
0x18: {  	[tilespmem:s2], [sflag:$0x1] =	stream.linear.gather [hbm4b:s4+s2], $0x80, $0x38;
	[tilespmem:$0x10200] =	vst v63  }
0x19: {  	_ = 	snop  }
0x1a: {  	[tilespmem:s11], [sflag:$0x1] =	stream.linear.gather [hbm4b:s7+s2], $0x80, $0x38;
	[tilespmem:$0x10200] =	vst v63  }
0x1b: {  	_ = 	snop  }
0x1c: {  	[tilespmem:s12], [sflag:$0x2] =	stream.linear.gather [hbm4b:s5+s2], $0x80, $0x38;
	[tilespmem:$0x10200] =	vst v63  }
0x1d: {  	s25 =	smov.u32 s10;
	s26 =	simm.s32 $0x0  }
0x1e: {  	[tilespmem:s13], [sflag:$0x2] =	stream.linear.gather [hbm4b:s8+s2], $0x80, $0x38;
	[tilespmem:$0x10200] =	vst v63  }
.LBB2_2:
0x1f: {  	_ =	swait.ge [sflag:s14], $0x100  }
0x20: {  	p0 =	seq.s32 s26, $0x0;
	[sflag:s14] =	ssyncset.done $0x0  }
0x21: {  	s28 =	simm.s32 @!p0 $0x5;
	[sflag:s14] =	ssyncadd.s32 $0xFFFFFF00  }
0x22: {  	_ =	swait.ge @!p0 [sflag:s28], $0x8000  }
0x23: {  	[sflag:s28] =	ssyncset.done @!p0 $0x0  }
0x24: {  	[sflag:s28] =	ssyncadd.s32 @!p0 $0xFFFF8000  }
0x25: {  	[tilespmem:s15], [sflag:$0x3] =	stream.indirect.gather [hbm4b:s3+s12], $0x80, s2, s12, $0xb8;
	[tilespmem:$0x10200] =	vst v63  }
0x26: {  	_ = 	snop  }
0x27: {  	[tilespmem:s16], [sflag:$0x3] =	stream.indirect.gather [hbm4b:s3+s12], $0x80, s11, s12, $0xb8;
	[tilespmem:$0x10200] =	vst v63  }
0x28: {  	_ =	swait.ge [sflag:s17], $0x4000  }
0x29: {  	p1 =	sne.s32 s26, $0x1840;
	[sflag:s17] =	ssyncset.done $0x0  }
.Ltmp2:
0x2a: {  	[sflag:s17] =	ssyncadd.s32 $0xFFFFC000;
	(pc) =	sbr.rel @p1 .LBB2_4-.Ltmp2, $4  }
0x2b: {  	_ =	swait.ge [sflag:s17], $0x4000  }
0x2c: {  	[sflag:s17] =	ssyncset.done $0x0  }
0x2d: {  	[sflag:s17] =	ssyncadd.s32 $0xFFFFC000  }
0x2e: {  	[hbm4b:s25+s2] =	stream.linear.scatter [tilespmem:s15], [sflag:$0x5], $0x8000, $0x38;
	[tilespmem:$0x10200] =	vst v63  }
.Ltmp3:
0x2f: {  	(pc) =	sbr.rel .LBB2_5-.Ltmp3, $4  }
0x30: {  	_ = 	snop  }
0x31: {  	_ =	swait.ge [sflag:s18], $0x100  }
0x32: {  	[sflag:s18] =	ssyncset.done $0x0  }
0x33: {  	[sflag:s18] =	ssyncadd.s32 $0xFFFFFF00  }
.LBB2_4:
0x34: {  	s28 =	sadd.s32 s26, s9  }
0x35: {  	s29 =	sadd.s32 $0x40, s28  }
0x36: {  	[tilespmem:s2], [sflag:$0x1] =	stream.linear.gather [hbm4b:s29+s2], $0x80, $0x38;
	[tilespmem:$0x10200] =	vst v63  }
.Ltmp4:
0x37: {  	s28 =	sadd.s32 $0x50, s28;
	(pc) =	sbr.rel @p0 .LBB2_6-.Ltmp4, $4  }
0x38: {  	[tilespmem:s11], [sflag:$0x1] =	stream.linear.gather [hbm4b:s28+s2], $0x80, $0x38;
	[tilespmem:$0x10200] =	vst v63  }
0x39: {  	_ =	swait.ge [sflag:s18], $0x100  }
0x3a: {  	[sflag:s18] =	ssyncset.done $0x0  }
0x3b: {  	[sflag:s18] =	ssyncadd.s32 $0xFFFFFF00  }
.LBB2_5:
0x3c: {  	_ =	swait.ge [sflag:s19], $0x8000  }
0x3d: {  	[sflag:s19] =	ssyncset.done $0x0  }
0x3e: {  	[sflag:s19] =	ssyncadd.s32 $0xFFFF8000  }
.LBB2_6:
0x3f: {  	[tilespmem:s20], [sflag:$0x4] =	stream.indirect.gather [hbm4b:s3+s12], $0x80, s12, s12, $0xb8;
	[tilespmem:$0x10200] =	vst v63  }
0x40: {  	_ = 	snop  }
0x41: {  	[tilespmem:s21], [sflag:$0x4] =	stream.indirect.gather [hbm4b:s3+s12], $0x80, s13, s12, $0xb8;
	[tilespmem:$0x10200] =	vst v63  }
0x42: {  	_ =	swait.ge [sflag:s22], $0x4000  }
0x43: {  	p0 =	seq.s32 s26, $0x1840;
	[sflag:s22] =	ssyncset.done $0x0  }
.Ltmp5:
0x44: {  	[sflag:s22] =	ssyncadd.s32 $0xFFFFC000;
	(pc) =	sbr.rel @p0 .LBB2_8-.Ltmp5, $4  }
0x45: {  	_ =	swait.ge [sflag:s22], $0x4000  }
0x46: {  	[sflag:s22] =	ssyncset.done $0x0  }
0x47: {  	s28 =	sadd.s32 $0x1000, s25;
	[sflag:s22] =	ssyncadd.s32 $0xFFFFC000  }
0x48: {  	[hbm4b:s28+s2] =	stream.linear.scatter [tilespmem:s20], [sflag:$0x6], $0x8000, $0x38;
	[tilespmem:$0x10200] =	vst v63  }
.Ltmp6:
0x49: {  	s28 =	sadd.s32 s26, s9;
	(pc) =	sbr.rel .LBB2_2-.Ltmp6, $4  }
0x4a: {  	s29 =	sadd.s32 $0x60, s28  }
0x4b: {  	[tilespmem:s12], [sflag:$0x2] =	stream.linear.gather [hbm4b:s29+s2], $0x80, $0x38;
	[tilespmem:$0x10200] =	vst v63  }
0x4c: {  	s26 =	sadd.s32 $0x40, s26;
	s25 =	sadd.s32 $0x2000, s25;
	s28 =	sadd.s32 $0x70, s28  }
0x4d: {  	[tilespmem:s13], [sflag:$0x2] =	stream.linear.gather [hbm4b:s28+s2], $0x80, $0x38;
	[tilespmem:$0x10200] =	vst v63  }
.LBB2_9:
0x4e: {  	_ =	sfence.sel $0x180000  }
0x4f: {  	[bflag:$0x0] =	sbarrier.arrive $0xFFFF  }
0x50: {  	p0 =	sne.s32 s1, $0x0;
	_ =	strace $0x90000047  }
0x51: {  	s0 =	sadd.s32 @!p0 $0x100000, s0;
	[bflag:$0x2] =	sbarrier.arrive $0xFFFF  }
0x52: {  	[sflag:s0] =	ssyncadd.tile.s32 @!p0 $0x1;
	_ =	shalt  }
.Lfunc_end2:
_tile_overlayer_lowered:
.L_overlay_start_2:
0x53: {  	(tag) =	ssettag $0x2  }
0x54: {  	s0 =	rddreg [dreg:$0x0];
	s2 =	stileid.u32  }
0x55: {  	s1 =	rddreg [dreg:$0x1];
	p0 =	sne.s32 s2, $0x0  }
0x56: {  	s3 =	rddreg [dreg:$0x2];
	[bflag:$0x3] =	sbarrier.arrive $0xFFFF;
	s2 =	simm.s32 @!p0 $0x1C07  }
0x57: {  	[timem:s3], [sflag:s2] =	dma.local @!p0 [hbm:s0], s1  }
0x58: {  	s0 =	simm.s32 @!p0 $0x7  }
0x59: {  	_ =	swait.ge @!p0 [sflag:s0], s1  }
0x5a: {  	s1 =	ssub.s32 @!p0 $0x0, s1;
	[sflag:s0] =	ssyncset.done @!p0 $0x0  }
0x5b: {  	[sflag:s0] =	ssyncadd.s32 @!p0 s1  }
0x5c: {  	[bflag:$0x3] =	sbarrier.arrive $0xFFFF  }
0x5d: {  	_ =	shalt  }

</sc_bundles>
